<compile_context>
chip_gen: v7x
topology: tpu7x:2x2x1
jax: 0.10.2.dev20260603
libtpu: 0.0.44.dev20260713+nightly
codegen_flags: <defaults>
</compile_context>

<pallas_src>
import functools

import jax
import jax.numpy as jnp
from jax import lax
from jax.experimental import pallas as pl
from jax.experimental.pallas import tpu as pltpu
from jax.experimental.pallas import tpu_sc as plsc

_N_PAIRS = 16384
_N_CONCEPTS = 512
_N_STUDENTS = 1024
_TJ = 2048
_GUESS = 0.25



def _sc_difficulty(dflat, concepts):
  info = plsc.get_sparse_core_info()
  nc, ns = info.num_cores, info.num_subcores
  nw = nc * ns
  chunk = _N_PAIRS // nw
  n_dma = chunk // 128

  mesh = plsc.VectorSubcoreMesh(core_axis_name="c", subcore_axis_name="s")

  @functools.partial(
      pl.kernel,
      mesh=mesh,
      out_type=jax.ShapeDtypeStruct((_N_PAIRS,), jnp.float32),
      scratch_types=[
          pltpu.VMEM((2, chunk), jnp.int32),
          pltpu.VMEM((n_dma, 128), jnp.int32),
          pltpu.VMEM((chunk,), jnp.float32),
          pltpu.SemaphoreType.DMA,
      ],
  )
  def sc_kernel(dflat_hbm, cc_hbm, out_hbm, cc_v, idx_v, dif_v, sem):
    wid = lax.axis_index("s") * nc + lax.axis_index("c")
    base = wid * chunk
    pltpu.sync_copy(cc_hbm.at[:, pl.ds(base, chunk)], cc_v)
    gathers = []
    for r in range(n_dma):
      for k in range(128 // 16):
        j = r * 128 + k * 16
        idx_v[r, pl.ds(k * 16, 16)] = cc_v[0, pl.ds(j, 16)] * _N_CONCEPTS + \
            cc_v[1, pl.ds(j, 16)]
      gathers.append(
          pltpu.async_copy(dflat_hbm.at[idx_v.at[r]],
                           dif_v.at[pl.ds(r * 128, 128)], sem))
    for g in gathers:
      g.wait()
    pltpu.sync_copy(dif_v, out_hbm.at[pl.ds(base, chunk)])

  return sc_kernel(dflat, concepts)



def _tc_body(l_ref, a_ref, c1_ref, dif_ref, out_ref, e_ref):
  @pl.when(pl.program_id(0) == 0)
  def _():
    e_ref[...] = jnp.exp(-l_ref[0] * a_ref[...]).astype(jnp.bfloat16)

  ids = c1_ref[...]
  onehot = (lax.broadcasted_iota(jnp.int32, (_N_CONCEPTS, _TJ), 0)
            == ids[None, :]).astype(jnp.bfloat16)
  picked = jnp.dot(e_ref[...], onehot, preferred_element_type=jnp.float32)
  g = jnp.exp(l_ref[0] * dif_ref[...])
  out_ref[...] = jnp.maximum(_GUESS, 1.0 - picked * g[None, :])


def _tc_main(A, c1, dif, l):
  n_tiles = _N_PAIRS // _TJ
  return pl.pallas_call(
      _tc_body,
      grid=(n_tiles,),
      in_specs=[
          pl.BlockSpec(memory_space=pltpu.SMEM),
          pl.BlockSpec((_N_STUDENTS, _N_CONCEPTS), lambda i: (0, 0)),
          pl.BlockSpec((_TJ,), lambda i: (i,)),
          pl.BlockSpec((_TJ,), lambda i: (i,)),
      ],
      out_specs=pl.BlockSpec((_N_STUDENTS, _TJ), lambda i: (0, i)),
      out_shape=jax.ShapeDtypeStruct((_N_STUDENTS, _N_PAIRS), jnp.float32),
      scratch_shapes=[pltpu.VMEM((_N_STUDENTS, _N_CONCEPTS), jnp.bfloat16)],
  )(l, A, c1, dif)


def kernel(A, D, l, concepts):
  dflat = D[:_N_CONCEPTS].reshape(_N_CONCEPTS * _N_CONCEPTS)
  dif = _sc_difficulty(dflat, concepts)
  return _tc_main(A, concepts[1], dif, l)

# --- scband reference (transcript-rebuilt; emitter-appended) ---
"""Pipeline reference for scband-fe-67405216744292 (READ-ONLY COPY).

The authoritative reference and input builder live on the scoring server;
editing this copy changes nothing except your own understanding.
"""

import jax, jax.numpy as jnp
import numpy as np


def setup_inputs(seed: int = 0) -> dict:
    key = jax.random.key(seed)
    kA, kD, kl, kc = jax.random.split(key, 4)
    A = jax.random.normal(kA, (1024, 512), dtype=jnp.float32)
    D = jax.random.normal(kD, (100000, 512), dtype=jnp.float32)
    l = jax.random.uniform(kl, (1,), dtype=jnp.float32)
    concepts = jax.random.randint(kc, (2, 16384), 0, 512, dtype=jnp.int32)
    return {"A": A, "D": D, "l": l, "concepts": concepts}


def reference(A, D, l, concepts):
    # floored_exp_irf(A[:, concepts[1]], D[concepts], l, guess_prob)
    # concepts acts as a (question_idx, concept_idx) pair index:
    #   ability: gather columns of A by concept id -> [n_students, n_pairs]
    #   difficulty: gather D at (question, concept) pairs -> [n_pairs]
    guess_prob = jnp.float32(0.25)
    ability = A[:, concepts[1]]                      # gather, [1024, 16384]
    difficulty = D[concepts[0], concepts[1]]         # gather, [16384]
    return jnp.maximum(guess_prob, 1.0 - jnp.exp(-l * (ability - difficulty)))

if __name__ == "__main__":
    import jax
    _d = setup_inputs()
    print(jax.jit(kernel)(*tuple(_d.values())))

</pallas_src>

<mosaic_0001>
#map = affine_map<(d0, d1) -> (0)>
#map1 = affine_map<(d0, d1) -> (0, 0)>
module attributes {stable_mosaic.version = 14 : i64} {
  func.func @sc_kernel(%arg0: i32, %arg1: i32, %arg2: memref<262144xf32, #tpu.memory_space<hbm>>, %arg3: memref<2x16384xi32, #tpu.memory_space<hbm>>, %arg4: memref<16384xf32, #tpu.memory_space<hbm>>, %arg5: memref<2x512xi32, #tpu.memory_space<vmem>>, %arg6: memref<4x128xi32, #tpu.memory_space<vmem>>, %arg7: memref<512xf32, #tpu.memory_space<vmem>>, %arg8: memref<!tpu.dma_semaphore, #tpu.memory_space<semaphore_mem>>) attributes {dimension_semantics = [#tpu.dimension_semantics<core_parallel>, #tpu.dimension_semantics<subcore_parallel>], iteration_bounds = array<i64: 2, 16>, scalar_prefetch = 0 : i64, scratch_operands = 4 : i64, tpu.core_type = #tpu.core_type<sc_vector_subcore>, window_params = [{transform_indices = #map}, {transform_indices = #map1}, {transform_indices = #map}]} {
    %mul3A = arith.constant 2 : i32
    %mul3A_0 = arith.muli %arg1, %mul3A : i32
    %add3A = arith.addi %mul3A_0, %arg0 : i32
    %mul3A_1 = arith.constant 512 : i32
    %mul3A_2 = arith.muli %add3A, %mul3A_1 : i32
    "tpu.region"() ({
      %run_scoped3A = tpu.sem_alloc : memref<!tpu.dma_semaphore, #tpu.memory_space<semaphore_mem>>
      %dma_start3A_703 = arith.constant 0 : i32
      %dma_start3A_704 = tpu.memref_slice %arg3[%dma_start3A_703, %mul3A_2] : memref<2x16384xi32, #tpu.memory_space<hbm>> -> memref<2x512xi32, #tpu.memory_space<hbm>>
      %dma_start3A_705 = arith.constant 0 : i32
      %dma_start3A_706 = tpu.memref_slice %arg3[%dma_start3A_705, %mul3A_2] : memref<2x16384xi32, #tpu.memory_space<hbm>> -> memref<2x512xi32, #tpu.memory_space<hbm>>
      tpu.enqueue_dma source(%dma_start3A_706 : memref<2x512xi32, #tpu.memory_space<hbm>>) target(%arg5 : memref<2x512xi32, #tpu.memory_space<vmem>>) target_semaphore(%run_scoped3A : memref<!tpu.dma_semaphore, #tpu.memory_space<semaphore_mem>>)
      %dma_wait3A_707 = arith.constant 0 : i32
      %dma_wait3A_708 = tpu.memref_slice %arg3[%dma_wait3A_707, %mul3A_2] : memref<2x16384xi32, #tpu.memory_space<hbm>> -> memref<2x512xi32, #tpu.memory_space<hbm>>
      %dma_wait3A_709 = arith.constant 0 : i32
      %dma_wait3A_710 = tpu.memref_slice %arg3[%dma_wait3A_709, %mul3A_2] : memref<2x16384xi32, #tpu.memory_space<hbm>> -> memref<2x512xi32, #tpu.memory_space<hbm>>
      tpu.wait_dma2 semaphore(%run_scoped3A : memref<!tpu.dma_semaphore, #tpu.memory_space<semaphore_mem>>) src(%dma_wait3A_710 : memref<2x512xi32, #tpu.memory_space<hbm>>) dst(%arg5 : memref<2x512xi32, #tpu.memory_space<vmem>>)
      tpu.yield
    }) : () -> ()
    %get3A = arith.constant 0 : i32
    %get3A_3 = arith.index_cast %get3A : i32 to index
    %get3A_4 = arith.constant 0 : index
    %get3A_5 = tpu.vector_load %arg5[%get3A_3, %get3A_4] {strides = array<i32>} : memref<2x512xi32, #tpu.memory_space<vmem>>, vector<1x16xi32>,
    %get3A_6 = vector.shape_cast %get3A_5 : vector<1x16xi32> to vector<16xi32>
    %mul3A_7 = arith.constant 512 : i32
    %mul3A_8 = vector.broadcast %mul3A_7 : i32 to vector<16xi32>
    %mul3A_9 = arith.muli %get3A_6, %mul3A_8 : vector<16xi32>
    %get3A_10 = arith.constant 1 : i32
    %get3A_11 = arith.index_cast %get3A_10 : i32 to index
    %get3A_12 = arith.constant 0 : index
    %get3A_13 = tpu.vector_load %arg5[%get3A_11, %get3A_12] {strides = array<i32>} : memref<2x512xi32, #tpu.memory_space<vmem>>, vector<1x16xi32>,
    %get3A_14 = vector.shape_cast %get3A_13 : vector<1x16xi32> to vector<16xi32>
    %add3A_15 = arith.addi %mul3A_9, %get3A_14 : vector<16xi32>
    %swap3A = arith.constant 0 : i32
    %swap3A_16 = arith.index_cast %swap3A : i32 to index
    %swap3A_17 = arith.constant 0 : index
    %swap3A_18 = tpu.vector_load %arg6[%swap3A_16, %swap3A_17] {strides = array<i32>} : memref<4x128xi32, #tpu.memory_space<vmem>>, vector<1x16xi32>,
    %swap3A_19 = vector.shape_cast %swap3A_18 : vector<1x16xi32> to vector<16xi32>
    %swap3A_20 = vector.shape_cast %add3A_15 : vector<16xi32> to vector<1x16xi32>
    tpu.vector_store %arg6[%swap3A_16, %swap3A_17], %swap3A_20 {strides = array<i32>} : memref<4x128xi32, #tpu.memory_space<vmem>>, vector<1x16xi32>,
    %get3A_21 = arith.constant 0 : i32
    %get3A_22 = arith.index_cast %get3A_21 : i32 to index
    %get3A_23 = arith.constant 16 : index
    %get3A_24 = tpu.vector_load %arg5[%get3A_22, %get3A_23] {strides = array<i32>} : memref<2x512xi32, #tpu.memory_space<vmem>>, vector<1x16xi32>,
    %get3A_25 = vector.shape_cast %get3A_24 : vector<1x16xi32> to vector<16xi32>
    %mul3A_26 = arith.constant 512 : i32
    %mul3A_27 = vector.broadcast %mul3A_26 : i32 to vector<16xi32>
    %mul3A_28 = arith.muli %get3A_25, %mul3A_27 : vector<16xi32>
    %get3A_29 = arith.constant 1 : i32
    %get3A_30 = arith.index_cast %get3A_29 : i32 to index
    %get3A_31 = arith.constant 16 : index
    %get3A_32 = tpu.vector_load %arg5[%get3A_30, %get3A_31] {strides = array<i32>} : memref<2x512xi32, #tpu.memory_space<vmem>>, vector<1x16xi32>,
    %get3A_33 = vector.shape_cast %get3A_32 : vector<1x16xi32> to vector<16xi32>
    %add3A_34 = arith.addi %mul3A_28, %get3A_33 : vector<16xi32>
    %swap3A_35 = arith.constant 0 : i32
    %swap3A_36 = arith.index_cast %swap3A_35 : i32 to index
    %swap3A_37 = arith.constant 16 : index
    %swap3A_38 = tpu.vector_load %arg6[%swap3A_36, %swap3A_37] {strides = array<i32>} : memref<4x128xi32, #tpu.memory_space<vmem>>, vector<1x16xi32>,
    %swap3A_39 = vector.shape_cast %swap3A_38 : vector<1x16xi32> to vector<16xi32>
    %swap3A_40 = vector.shape_cast %add3A_34 : vector<16xi32> to vector<1x16xi32>
    tpu.vector_store %arg6[%swap3A_36, %swap3A_37], %swap3A_40 {strides = array<i32>} : memref<4x128xi32, #tpu.memory_space<vmem>>, vector<1x16xi32>,
    %get3A_41 = arith.constant 0 : i32
    %get3A_42 = arith.index_cast %get3A_41 : i32 to index
    %get3A_43 = arith.constant 32 : index
    %get3A_44 = tpu.vector_load %arg5[%get3A_42, %get3A_43] {strides = array<i32>} : memref<2x512xi32, #tpu.memory_space<vmem>>, vector<1x16xi32>,
    %get3A_45 = vector.shape_cast %get3A_44 : vector<1x16xi32> to vector<16xi32>
    %mul3A_46 = arith.constant 512 : i32
    %mul3A_47 = vector.broadcast %mul3A_46 : i32 to vector<16xi32>
    %mul3A_48 = arith.muli %get3A_45, %mul3A_47 : vector<16xi32>
    %get3A_49 = arith.constant 1 : i32
    %get3A_50 = arith.index_cast %get3A_49 : i32 to index
    %get3A_51 = arith.constant 32 : index
    %get3A_52 = tpu.vector_load %arg5[%get3A_50, %get3A_51] {strides = array<i32>} : memref<2x512xi32, #tpu.memory_space<vmem>>, vector<1x16xi32>,
    %get3A_53 = vector.shape_cast %get3A_52 : vector<1x16xi32> to vector<16xi32>
    %add3A_54 = arith.addi %mul3A_48, %get3A_53 : vector<16xi32>
    %swap3A_55 = arith.constant 0 : i32
    %swap3A_56 = arith.index_cast %swap3A_55 : i32 to index
    %swap3A_57 = arith.constant 32 : index
    %swap3A_58 = tpu.vector_load %arg6[%swap3A_56, %swap3A_57] {strides = array<i32>} : memref<4x128xi32, #tpu.memory_space<vmem>>, vector<1x16xi32>,
    %swap3A_59 = vector.shape_cast %swap3A_58 : vector<1x16xi32> to vector<16xi32>
    %swap3A_60 = vector.shape_cast %add3A_54 : vector<16xi32> to vector<1x16xi32>
    tpu.vector_store %arg6[%swap3A_56, %swap3A_57], %swap3A_60 {strides = array<i32>} : memref<4x128xi32, #tpu.memory_space<vmem>>, vector<1x16xi32>,
    %get3A_61 = arith.constant 0 : i32
    %get3A_62 = arith.index_cast %get3A_61 : i32 to index
    %get3A_63 = arith.constant 48 : index
    %get3A_64 = tpu.vector_load %arg5[%get3A_62, %get3A_63] {strides = array<i32>} : memref<2x512xi32, #tpu.memory_space<vmem>>, vector<1x16xi32>,
    %get3A_65 = vector.shape_cast %get3A_64 : vector<1x16xi32> to vector<16xi32>
    %mul3A_66 = arith.constant 512 : i32
    %mul3A_67 = vector.broadcast %mul3A_66 : i32 to vector<16xi32>
    %mul3A_68 = arith.muli %get3A_65, %mul3A_67 : vector<16xi32>
    %get3A_69 = arith.constant 1 : i32
    %get3A_70 = arith.index_cast %get3A_69 : i32 to index
    %get3A_71 = arith.constant 48 : index
    %get3A_72 = tpu.vector_load %arg5[%get3A_70, %get3A_71] {strides = array<i32>} : memref<2x512xi32, #tpu.memory_space<vmem>>, vector<1x16xi32>,
    %get3A_73 = vector.shape_cast %get3A_72 : vector<1x16xi32> to vector<16xi32>
    %add3A_74 = arith.addi %mul3A_68, %get3A_73 : vector<16xi32>
    %swap3A_75 = arith.constant 0 : i32
    %swap3A_76 = arith.index_cast %swap3A_75 : i32 to index
    %swap3A_77 = arith.constant 48 : index
    %swap3A_78 = tpu.vector_load %arg6[%swap3A_76, %swap3A_77] {strides = array<i32>} : memref<4x128xi32, #tpu.memory_space<vmem>>, vector<1x16xi32>,
    %swap3A_79 = vector.shape_cast %swap3A_78 : vector<1x16xi32> to vector<16xi32>
    %swap3A_80 = vector.shape_cast %add3A_74 : vector<16xi32> to vector<1x16xi32>
    tpu.vector_store %arg6[%swap3A_76, %swap3A_77], %swap3A_80 {strides = array<i32>} : memref<4x128xi32, #tpu.memory_space<vmem>>, vector<1x16xi32>,
    %get3A_81 = arith.constant 0 : i32
    %get3A_82 = arith.index_cast %get3A_81 : i32 to index
    %get3A_83 = arith.constant 64 : index
    %get3A_84 = tpu.vector_load %arg5[%get3A_82, %get3A_83] {strides = array<i32>} : memref<2x512xi32, #tpu.memory_space<vmem>>, vector<1x16xi32>,
    %get3A_85 = vector.shape_cast %get3A_84 : vector<1x16xi32> to vector<16xi32>
    %mul3A_86 = arith.constant 512 : i32
    %mul3A_87 = vector.broadcast %mul3A_86 : i32 to vector<16xi32>
    %mul3A_88 = arith.muli %get3A_85, %mul3A_87 : vector<16xi32>
    %get3A_89 = arith.constant 1 : i32
    %get3A_90 = arith.index_cast %get3A_89 : i32 to index
    %get3A_91 = arith.constant 64 : index
    %get3A_92 = tpu.vector_load %arg5[%get3A_90, %get3A_91] {strides = array<i32>} : memref<2x512xi32, #tpu.memory_space<vmem>>, vector<1x16xi32>,
    %get3A_93 = vector.shape_cast %get3A_92 : vector<1x16xi32> to vector<16xi32>
    %add3A_94 = arith.addi %mul3A_88, %get3A_93 : vector<16xi32>
    %swap3A_95 = arith.constant 0 : i32
    %swap3A_96 = arith.index_cast %swap3A_95 : i32 to index
    %swap3A_97 = arith.constant 64 : index
    %swap3A_98 = tpu.vector_load %arg6[%swap3A_96, %swap3A_97] {strides = array<i32>} : memref<4x128xi32, #tpu.memory_space<vmem>>, vector<1x16xi32>,
    %swap3A_99 = vector.shape_cast %swap3A_98 : vector<1x16xi32> to vector<16xi32>
    %swap3A_100 = vector.shape_cast %add3A_94 : vector<16xi32> to vector<1x16xi32>
    tpu.vector_store %arg6[%swap3A_96, %swap3A_97], %swap3A_100 {strides = array<i32>} : memref<4x128xi32, #tpu.memory_space<vmem>>, vector<1x16xi32>,
    %get3A_101 = arith.constant 0 : i32
    %get3A_102 = arith.index_cast %get3A_101 : i32 to index
    %get3A_103 = arith.constant 80 : index
    %get3A_104 = tpu.vector_load %arg5[%get3A_102, %get3A_103] {strides = array<i32>} : memref<2x512xi32, #tpu.memory_space<vmem>>, vector<1x16xi32>,
    %get3A_105 = vector.shape_cast %get3A_104 : vector<1x16xi32> to vector<16xi32>
    %mul3A_106 = arith.constant 512 : i32
    %mul3A_107 = vector.broadcast %mul3A_106 : i32 to vector<16xi32>
    %mul3A_108 = arith.muli %get3A_105, %mul3A_107 : vector<16xi32>
    %get3A_109 = arith.constant 1 : i32
    %get3A_110 = arith.index_cast %get3A_109 : i32 to index
    %get3A_111 = arith.constant 80 : index
    %get3A_112 = tpu.vector_load %arg5[%get3A_110, %get3A_111] {strides = array<i32>} : memref<2x512xi32, #tpu.memory_space<vmem>>, vector<1x16xi32>,
    %get3A_113 = vector.shape_cast %get3A_112 : vector<1x16xi32> to vector<16xi32>
    %add3A_114 = arith.addi %mul3A_108, %get3A_113 : vector<16xi32>
    %swap3A_115 = arith.constant 0 : i32
    %swap3A_116 = arith.index_cast %swap3A_115 : i32 to index
    %swap3A_117 = arith.constant 80 : index
    %swap3A_118 = tpu.vector_load %arg6[%swap3A_116, %swap3A_117] {strides = array<i32>} : memref<4x128xi32, #tpu.memory_space<vmem>>, vector<1x16xi32>,
    %swap3A_119 = vector.shape_cast %swap3A_118 : vector<1x16xi32> to vector<16xi32>
    %swap3A_120 = vector.shape_cast %add3A_114 : vector<16xi32> to vector<1x16xi32>
    tpu.vector_store %arg6[%swap3A_116, %swap3A_117], %swap3A_120 {strides = array<i32>} : memref<4x128xi32, #tpu.memory_space<vmem>>, vector<1x16xi32>,
    %get3A_121 = arith.constant 0 : i32
    %get3A_122 = arith.index_cast %get3A_121 : i32 to index
    %get3A_123 = arith.constant 96 : index
    %get3A_124 = tpu.vector_load %arg5[%get3A_122, %get3A_123] {strides = array<i32>} : memref<2x512xi32, #tpu.memory_space<vmem>>, vector<1x16xi32>,
    %get3A_125 = vector.shape_cast %get3A_124 : vector<1x16xi32> to vector<16xi32>
    %mul3A_126 = arith.constant 512 : i32
    %mul3A_127 = vector.broadcast %mul3A_126 : i32 to vector<16xi32>
    %mul3A_128 = arith.muli %get3A_125, %mul3A_127 : vector<16xi32>
    %get3A_129 = arith.constant 1 : i32
    %get3A_130 = arith.index_cast %get3A_129 : i32 to index
    %get3A_131 = arith.constant 96 : index
    %get3A_132 = tpu.vector_load %arg5[%get3A_130, %get3A_131] {strides = array<i32>} : memref<2x512xi32, #tpu.memory_space<vmem>>, vector<1x16xi32>,
    %get3A_133 = vector.shape_cast %get3A_132 : vector<1x16xi32> to vector<16xi32>
    %add3A_134 = arith.addi %mul3A_128, %get3A_133 : vector<16xi32>
    %swap3A_135 = arith.constant 0 : i32
    %swap3A_136 = arith.index_cast %swap3A_135 : i32 to index
    %swap3A_137 = arith.constant 96 : index
    %swap3A_138 = tpu.vector_load %arg6[%swap3A_136, %swap3A_137] {strides = array<i32>} : memref<4x128xi32, #tpu.memory_space<vmem>>, vector<1x16xi32>,
    %swap3A_139 = vector.shape_cast %swap3A_138 : vector<1x16xi32> to vector<16xi32>
    %swap3A_140 = vector.shape_cast %add3A_134 : vector<16xi32> to vector<1x16xi32>
    tpu.vector_store %arg6[%swap3A_136, %swap3A_137], %swap3A_140 {strides = array<i32>} : memref<4x128xi32, #tpu.memory_space<vmem>>, vector<1x16xi32>,
    %get3A_141 = arith.constant 0 : i32
    %get3A_142 = arith.index_cast %get3A_141 : i32 to index
    %get3A_143 = arith.constant 112 : index
    %get3A_144 = tpu.vector_load %arg5[%get3A_142, %get3A_143] {strides = array<i32>} : memref<2x512xi32, #tpu.memory_space<vmem>>, vector<1x16xi32>,
    %get3A_145 = vector.shape_cast %get3A_144 : vector<1x16xi32> to vector<16xi32>
    %mul3A_146 = arith.constant 512 : i32
    %mul3A_147 = vector.broadcast %mul3A_146 : i32 to vector<16xi32>
    %mul3A_148 = arith.muli %get3A_145, %mul3A_147 : vector<16xi32>
    %get3A_149 = arith.constant 1 : i32
    %get3A_150 = arith.index_cast %get3A_149 : i32 to index
    %get3A_151 = arith.constant 112 : index
    %get3A_152 = tpu.vector_load %arg5[%get3A_150, %get3A_151] {strides = array<i32>} : memref<2x512xi32, #tpu.memory_space<vmem>>, vector<1x16xi32>,
    %get3A_153 = vector.shape_cast %get3A_152 : vector<1x16xi32> to vector<16xi32>
    %add3A_154 = arith.addi %mul3A_148, %get3A_153 : vector<16xi32>
    %swap3A_155 = arith.constant 0 : i32
    %swap3A_156 = arith.index_cast %swap3A_155 : i32 to index
    %swap3A_157 = arith.constant 112 : index
    %swap3A_158 = tpu.vector_load %arg6[%swap3A_156, %swap3A_157] {strides = array<i32>} : memref<4x128xi32, #tpu.memory_space<vmem>>, vector<1x16xi32>,
    %swap3A_159 = vector.shape_cast %swap3A_158 : vector<1x16xi32> to vector<16xi32>
    %swap3A_160 = vector.shape_cast %add3A_154 : vector<16xi32> to vector<1x16xi32>
    tpu.vector_store %arg6[%swap3A_156, %swap3A_157], %swap3A_160 {strides = array<i32>} : memref<4x128xi32, #tpu.memory_space<vmem>>, vector<1x16xi32>,
    %dma_start3A = arith.constant 0 : i32
    %dma_start3A_161 = arith.constant 0 : i32
    %dma_start3A_162 = tpu.memref_slice %arg7[%dma_start3A_161] : memref<512xf32, #tpu.memory_space<vmem>> -> memref<128xf32, #tpu.memory_space<vmem>>
    %dma_start3A_163 = arith.constant 0 : i32
    %dma_start3A_164 = tpu.memref_slice %arg6[%dma_start3A, %dma_start3A_163] : memref<4x128xi32, #tpu.memory_space<vmem>> -> memref<1x128xi32, #tpu.memory_space<vmem>>
    %dma_start3A_165 = tpu.memref_squeeze %dma_start3A_164 : memref<1x128xi32, #tpu.memory_space<vmem>> -> memref<128xi32, #tpu.memory_space<vmem>>
    %dma_start3A_166 = arith.constant 0 : i32
    %dma_start3A_167 = tpu.memref_slice %arg2[%dma_start3A_166] : memref<262144xf32, #tpu.memory_space<hbm>> -> memref<262144xf32, #tpu.memory_space<hbm>>
    tpu.enqueue_indirect_dma source(%dma_start3A_167 : memref<262144xf32, #tpu.memory_space<hbm>>) target(%dma_start3A_162 : memref<128xf32, #tpu.memory_space<vmem>>) offsets(%dma_start3A_165 : memref<128xi32, #tpu.memory_space<vmem>>) semaphore(%arg8 : memref<!tpu.dma_semaphore, #tpu.memory_space<semaphore_mem>>)
    %get3A_168 = arith.constant 0 : i32
    %get3A_169 = arith.index_cast %get3A_168 : i32 to index
    %get3A_170 = arith.constant 128 : index
    %get3A_171 = tpu.vector_load %arg5[%get3A_169, %get3A_170] {strides = array<i32>} : memref<2x512xi32, #tpu.memory_space<vmem>>, vector<1x16xi32>,
    %get3A_172 = vector.shape_cast %get3A_171 : vector<1x16xi32> to vector<16xi32>
    %mul3A_173 = arith.constant 512 : i32
    %mul3A_174 = vector.broadcast %mul3A_173 : i32 to vector<16xi32>
    %mul3A_175 = arith.muli %get3A_172, %mul3A_174 : vector<16xi32>
    %get3A_176 = arith.constant 1 : i32
    %get3A_177 = arith.index_cast %get3A_176 : i32 to index
    %get3A_178 = arith.constant 128 : index
    %get3A_179 = tpu.vector_load %arg5[%get3A_177, %get3A_178] {strides = array<i32>} : memref<2x512xi32, #tpu.memory_space<vmem>>, vector<1x16xi32>,
    %get3A_180 = vector.shape_cast %get3A_179 : vector<1x16xi32> to vector<16xi32>
    %add3A_181 = arith.addi %mul3A_175, %get3A_180 : vector<16xi32>
    %swap3A_182 = arith.constant 1 : i32
    %swap3A_183 = arith.index_cast %swap3A_182 : i32 to index
    %swap3A_184 = arith.constant 0 : index
    %swap3A_185 = tpu.vector_load %arg6[%swap3A_183, %swap3A_184] {strides = array<i32>} : memref<4x128xi32, #tpu.memory_space<vmem>>, vector<1x16xi32>,
    %swap3A_186 = vector.shape_cast %swap3A_185 : vector<1x16xi32> to vector<16xi32>
    %swap3A_187 = vector.shape_cast %add3A_181 : vector<16xi32> to vector<1x16xi32>
    tpu.vector_store %arg6[%swap3A_183, %swap3A_184], %swap3A_187 {strides = array<i32>} : memref<4x128xi32, #tpu.memory_space<vmem>>, vector<1x16xi32>,
    %get3A_188 = arith.constant 0 : i32
    %get3A_189 = arith.index_cast %get3A_188 : i32 to index
    %get3A_190 = arith.constant 144 : index
    %get3A_191 = tpu.vector_load %arg5[%get3A_189, %get3A_190] {strides = array<i32>} : memref<2x512xi32, #tpu.memory_space<vmem>>, vector<1x16xi32>,
    %get3A_192 = vector.shape_cast %get3A_191 : vector<1x16xi32> to vector<16xi32>
    %mul3A_193 = arith.constant 512 : i32
    %mul3A_194 = vector.broadcast %mul3A_193 : i32 to vector<16xi32>
    %mul3A_195 = arith.muli %get3A_192, %mul3A_194 : vector<16xi32>
    %get3A_196 = arith.constant 1 : i32
    %get3A_197 = arith.index_cast %get3A_196 : i32 to index
    %get3A_198 = arith.constant 144 : index
    %get3A_199 = tpu.vector_load %arg5[%get3A_197, %get3A_198] {strides = array<i32>} : memref<2x512xi32, #tpu.memory_space<vmem>>, vector<1x16xi32>,
    %get3A_200 = vector.shape_cast %get3A_199 : vector<1x16xi32> to vector<16xi32>
    %add3A_201 = arith.addi %mul3A_195, %get3A_200 : vector<16xi32>
    %swap3A_202 = arith.constant 1 : i32
    %swap3A_203 = arith.index_cast %swap3A_202 : i32 to index
    %swap3A_204 = arith.constant 16 : index
    %swap3A_205 = tpu.vector_load %arg6[%swap3A_203, %swap3A_204] {strides = array<i32>} : memref<4x128xi32, #tpu.memory_space<vmem>>, vector<1x16xi32>,
    %swap3A_206 = vector.shape_cast %swap3A_205 : vector<1x16xi32> to vector<16xi32>
    %swap3A_207 = vector.shape_cast %add3A_201 : vector<16xi32> to vector<1x16xi32>
    tpu.vector_store %arg6[%swap3A_203, %swap3A_204], %swap3A_207 {strides = array<i32>} : memref<4x128xi32, #tpu.memory_space<vmem>>, vector<1x16xi32>,
    %get3A_208 = arith.constant 0 : i32
    %get3A_209 = arith.index_cast %get3A_208 : i32 to index
    %get3A_210 = arith.constant 160 : index
    %get3A_211 = tpu.vector_load %arg5[%get3A_209, %get3A_210] {strides = array<i32>} : memref<2x512xi32, #tpu.memory_space<vmem>>, vector<1x16xi32>,
    %get3A_212 = vector.shape_cast %get3A_211 : vector<1x16xi32> to vector<16xi32>
    %mul3A_213 = arith.constant 512 : i32
    %mul3A_214 = vector.broadcast %mul3A_213 : i32 to vector<16xi32>
    %mul3A_215 = arith.muli %get3A_212, %mul3A_214 : vector<16xi32>
    %get3A_216 = arith.constant 1 : i32
    %get3A_217 = arith.index_cast %get3A_216 : i32 to index
    %get3A_218 = arith.constant 160 : index
    %get3A_219 = tpu.vector_load %arg5[%get3A_217, %get3A_218] {strides = array<i32>} : memref<2x512xi32, #tpu.memory_space<vmem>>, vector<1x16xi32>,
    %get3A_220 = vector.shape_cast %get3A_219 : vector<1x16xi32> to vector<16xi32>
    %add3A_221 = arith.addi %mul3A_215, %get3A_220 : vector<16xi32>
    %swap3A_222 = arith.constant 1 : i32
    %swap3A_223 = arith.index_cast %swap3A_222 : i32 to index
    %swap3A_224 = arith.constant 32 : index
    %swap3A_225 = tpu.vector_load %arg6[%swap3A_223, %swap3A_224] {strides = array<i32>} : memref<4x128xi32, #tpu.memory_space<vmem>>, vector<1x16xi32>,
    %swap3A_226 = vector.shape_cast %swap3A_225 : vector<1x16xi32> to vector<16xi32>
    %swap3A_227 = vector.shape_cast %add3A_221 : vector<16xi32> to vector<1x16xi32>
    tpu.vector_store %arg6[%swap3A_223, %swap3A_224], %swap3A_227 {strides = array<i32>} : memref<4x128xi32, #tpu.memory_space<vmem>>, vector<1x16xi32>,
    %get3A_228 = arith.constant 0 : i32
    %get3A_229 = arith.index_cast %get3A_228 : i32 to index
    %get3A_230 = arith.constant 176 : index
    %get3A_231 = tpu.vector_load %arg5[%get3A_229, %get3A_230] {strides = array<i32>} : memref<2x512xi32, #tpu.memory_space<vmem>>, vector<1x16xi32>,
    %get3A_232 = vector.shape_cast %get3A_231 : vector<1x16xi32> to vector<16xi32>
    %mul3A_233 = arith.constant 512 : i32
    %mul3A_234 = vector.broadcast %mul3A_233 : i32 to vector<16xi32>
    %mul3A_235 = arith.muli %get3A_232, %mul3A_234 : vector<16xi32>
    %get3A_236 = arith.constant 1 : i32
    %get3A_237 = arith.index_cast %get3A_236 : i32 to index
    %get3A_238 = arith.constant 176 : index
    %get3A_239 = tpu.vector_load %arg5[%get3A_237, %get3A_238] {strides = array<i32>} : memref<2x512xi32, #tpu.memory_space<vmem>>, vector<1x16xi32>,
    %get3A_240 = vector.shape_cast %get3A_239 : vector<1x16xi32> to vector<16xi32>
    %add3A_241 = arith.addi %mul3A_235, %get3A_240 : vector<16xi32>
    %swap3A_242 = arith.constant 1 : i32
    %swap3A_243 = arith.index_cast %swap3A_242 : i32 to index
    %swap3A_244 = arith.constant 48 : index
    %swap3A_245 = tpu.vector_load %arg6[%swap3A_243, %swap3A_244] {strides = array<i32>} : memref<4x128xi32, #tpu.memory_space<vmem>>, vector<1x16xi32>,
    %swap3A_246 = vector.shape_cast %swap3A_245 : vector<1x16xi32> to vector<16xi32>
    %swap3A_247 = vector.shape_cast %add3A_241 : vector<16xi32> to vector<1x16xi32>
    tpu.vector_store %arg6[%swap3A_243, %swap3A_244], %swap3A_247 {strides = array<i32>} : memref<4x128xi32, #tpu.memory_space<vmem>>, vector<1x16xi32>,
    %get3A_248 = arith.constant 0 : i32
    %get3A_249 = arith.index_cast %get3A_248 : i32 to index
    %get3A_250 = arith.constant 192 : index
    %get3A_251 = tpu.vector_load %arg5[%get3A_249, %get3A_250] {strides = array<i32>} : memref<2x512xi32, #tpu.memory_space<vmem>>, vector<1x16xi32>,
    %get3A_252 = vector.shape_cast %get3A_251 : vector<1x16xi32> to vector<16xi32>
    %mul3A_253 = arith.constant 512 : i32
    %mul3A_254 = vector.broadcast %mul3A_253 : i32 to vector<16xi32>
    %mul3A_255 = arith.muli %get3A_252, %mul3A_254 : vector<16xi32>
    %get3A_256 = arith.constant 1 : i32
    %get3A_257 = arith.index_cast %get3A_256 : i32 to index
    %get3A_258 = arith.constant 192 : index
    %get3A_259 = tpu.vector_load %arg5[%get3A_257, %get3A_258] {strides = array<i32>} : memref<2x512xi32, #tpu.memory_space<vmem>>, vector<1x16xi32>,
    %get3A_260 = vector.shape_cast %get3A_259 : vector<1x16xi32> to vector<16xi32>
    %add3A_261 = arith.addi %mul3A_255, %get3A_260 : vector<16xi32>
    %swap3A_262 = arith.constant 1 : i32
    %swap3A_263 = arith.index_cast %swap3A_262 : i32 to index
    %swap3A_264 = arith.constant 64 : index
    %swap3A_265 = tpu.vector_load %arg6[%swap3A_263, %swap3A_264] {strides = array<i32>} : memref<4x128xi32, #tpu.memory_space<vmem>>, vector<1x16xi32>,
    %swap3A_266 = vector.shape_cast %swap3A_265 : vector<1x16xi32> to vector<16xi32>
    %swap3A_267 = vector.shape_cast %add3A_261 : vector<16xi32> to vector<1x16xi32>
    tpu.vector_store %arg6[%swap3A_263, %swap3A_264], %swap3A_267 {strides = array<i32>} : memref<4x128xi32, #tpu.memory_space<vmem>>, vector<1x16xi32>,
    %get3A_268 = arith.constant 0 : i32
    %get3A_269 = arith.index_cast %get3A_268 : i32 to index
    %get3A_270 = arith.constant 208 : index
    %get3A_271 = tpu.vector_load %arg5[%get3A_269, %get3A_270] {strides = array<i32>} : memref<2x512xi32, #tpu.memory_space<vmem>>, vector<1x16xi32>,
    %get3A_272 = vector.shape_cast %get3A_271 : vector<1x16xi32> to vector<16xi32>
    %mul3A_273 = arith.constant 512 : i32
    %mul3A_274 = vector.broadcast %mul3A_273 : i32 to vector<16xi32>
    %mul3A_275 = arith.muli %get3A_272, %mul3A_274 : vector<16xi32>
    %get3A_276 = arith.constant 1 : i32
    %get3A_277 = arith.index_cast %get3A_276 : i32 to index
    %get3A_278 = arith.constant 208 : index
    %get3A_279 = tpu.vector_load %arg5[%get3A_277, %get3A_278] {strides = array<i32>} : memref<2x512xi32, #tpu.memory_space<vmem>>, vector<1x16xi32>,
    %get3A_280 = vector.shape_cast %get3A_279 : vector<1x16xi32> to vector<16xi32>
    %add3A_281 = arith.addi %mul3A_275, %get3A_280 : vector<16xi32>
    %swap3A_282 = arith.constant 1 : i32
    %swap3A_283 = arith.index_cast %swap3A_282 : i32 to index
    %swap3A_284 = arith.constant 80 : index
    %swap3A_285 = tpu.vector_load %arg6[%swap3A_283, %swap3A_284] {strides = array<i32>} : memref<4x128xi32, #tpu.memory_space<vmem>>, vector<1x16xi32>,
    %swap3A_286 = vector.shape_cast %swap3A_285 : vector<1x16xi32> to vector<16xi32>
    %swap3A_287 = vector.shape_cast %add3A_281 : vector<16xi32> to vector<1x16xi32>
    tpu.vector_store %arg6[%swap3A_283, %swap3A_284], %swap3A_287 {strides = array<i32>} : memref<4x128xi32, #tpu.memory_space<vmem>>, vector<1x16xi32>,
    %get3A_288 = arith.constant 0 : i32
    %get3A_289 = arith.index_cast %get3A_288 : i32 to index
    %get3A_290 = arith.constant 224 : index
    %get3A_291 = tpu.vector_load %arg5[%get3A_289, %get3A_290] {strides = array<i32>} : memref<2x512xi32, #tpu.memory_space<vmem>>, vector<1x16xi32>,
    %get3A_292 = vector.shape_cast %get3A_291 : vector<1x16xi32> to vector<16xi32>
    %mul3A_293 = arith.constant 512 : i32
    %mul3A_294 = vector.broadcast %mul3A_293 : i32 to vector<16xi32>
    %mul3A_295 = arith.muli %get3A_292, %mul3A_294 : vector<16xi32>
    %get3A_296 = arith.constant 1 : i32
    %get3A_297 = arith.index_cast %get3A_296 : i32 to index
    %get3A_298 = arith.constant 224 : index
    %get3A_299 = tpu.vector_load %arg5[%get3A_297, %get3A_298] {strides = array<i32>} : memref<2x512xi32, #tpu.memory_space<vmem>>, vector<1x16xi32>,
    %get3A_300 = vector.shape_cast %get3A_299 : vector<1x16xi32> to vector<16xi32>
    %add3A_301 = arith.addi %mul3A_295, %get3A_300 : vector<16xi32>
    %swap3A_302 = arith.constant 1 : i32
    %swap3A_303 = arith.index_cast %swap3A_302 : i32 to index
    %swap3A_304 = arith.constant 96 : index
    %swap3A_305 = tpu.vector_load %arg6[%swap3A_303, %swap3A_304] {strides = array<i32>} : memref<4x128xi32, #tpu.memory_space<vmem>>, vector<1x16xi32>,
    %swap3A_306 = vector.shape_cast %swap3A_305 : vector<1x16xi32> to vector<16xi32>
    %swap3A_307 = vector.shape_cast %add3A_301 : vector<16xi32> to vector<1x16xi32>
    tpu.vector_store %arg6[%swap3A_303, %swap3A_304], %swap3A_307 {strides = array<i32>} : memref<4x128xi32, #tpu.memory_space<vmem>>, vector<1x16xi32>,
    %get3A_308 = arith.constant 0 : i32
    %get3A_309 = arith.index_cast %get3A_308 : i32 to index
    %get3A_310 = arith.constant 240 : index
    %get3A_311 = tpu.vector_load %arg5[%get3A_309, %get3A_310] {strides = array<i32>} : memref<2x512xi32, #tpu.memory_space<vmem>>, vector<1x16xi32>,
    %get3A_312 = vector.shape_cast %get3A_311 : vector<1x16xi32> to vector<16xi32>
    %mul3A_313 = arith.constant 512 : i32
    %mul3A_314 = vector.broadcast %mul3A_313 : i32 to vector<16xi32>
    %mul3A_315 = arith.muli %get3A_312, %mul3A_314 : vector<16xi32>
    %get3A_316 = arith.constant 1 : i32
    %get3A_317 = arith.index_cast %get3A_316 : i32 to index
    %get3A_318 = arith.constant 240 : index
    %get3A_319 = tpu.vector_load %arg5[%get3A_317, %get3A_318] {strides = array<i32>} : memref<2x512xi32, #tpu.memory_space<vmem>>, vector<1x16xi32>,
    %get3A_320 = vector.shape_cast %get3A_319 : vector<1x16xi32> to vector<16xi32>
    %add3A_321 = arith.addi %mul3A_315, %get3A_320 : vector<16xi32>
    %swap3A_322 = arith.constant 1 : i32
    %swap3A_323 = arith.index_cast %swap3A_322 : i32 to index
    %swap3A_324 = arith.constant 112 : index
    %swap3A_325 = tpu.vector_load %arg6[%swap3A_323, %swap3A_324] {strides = array<i32>} : memref<4x128xi32, #tpu.memory_space<vmem>>, vector<1x16xi32>,
    %swap3A_326 = vector.shape_cast %swap3A_325 : vector<1x16xi32> to vector<16xi32>
    %swap3A_327 = vector.shape_cast %add3A_321 : vector<16xi32> to vector<1x16xi32>
    tpu.vector_store %arg6[%swap3A_323, %swap3A_324], %swap3A_327 {strides = array<i32>} : memref<4x128xi32, #tpu.memory_space<vmem>>, vector<1x16xi32>,
    %dma_start3A_328 = arith.constant 1 : i32
    %dma_start3A_329 = arith.constant 128 : i32
    %dma_start3A_330 = tpu.memref_slice %arg7[%dma_start3A_329] : memref<512xf32, #tpu.memory_space<vmem>> -> memref<128xf32, #tpu.memory_space<vmem>>
    %dma_start3A_331 = arith.constant 0 : i32
    %dma_start3A_332 = tpu.memref_slice %arg6[%dma_start3A_328, %dma_start3A_331] : memref<4x128xi32, #tpu.memory_space<vmem>> -> memref<1x128xi32, #tpu.memory_space<vmem>>
    %dma_start3A_333 = tpu.memref_squeeze %dma_start3A_332 : memref<1x128xi32, #tpu.memory_space<vmem>> -> memref<128xi32, #tpu.memory_space<vmem>>
    %dma_start3A_334 = arith.constant 0 : i32
    %dma_start3A_335 = tpu.memref_slice %arg2[%dma_start3A_334] : memref<262144xf32, #tpu.memory_space<hbm>> -> memref<262144xf32, #tpu.memory_space<hbm>>
    tpu.enqueue_indirect_dma source(%dma_start3A_335 : memref<262144xf32, #tpu.memory_space<hbm>>) target(%dma_start3A_330 : memref<128xf32, #tpu.memory_space<vmem>>) offsets(%dma_start3A_333 : memref<128xi32, #tpu.memory_space<vmem>>) semaphore(%arg8 : memref<!tpu.dma_semaphore, #tpu.memory_space<semaphore_mem>>)
    %get3A_336 = arith.constant 0 : i32
    %get3A_337 = arith.index_cast %get3A_336 : i32 to index
    %get3A_338 = arith.constant 256 : index
    %get3A_339 = tpu.vector_load %arg5[%get3A_337, %get3A_338] {strides = array<i32>} : memref<2x512xi32, #tpu.memory_space<vmem>>, vector<1x16xi32>,
    %get3A_340 = vector.shape_cast %get3A_339 : vector<1x16xi32> to vector<16xi32>
    %mul3A_341 = arith.constant 512 : i32
    %mul3A_342 = vector.broadcast %mul3A_341 : i32 to vector<16xi32>
    %mul3A_343 = arith.muli %get3A_340, %mul3A_342 : vector<16xi32>
    %get3A_344 = arith.constant 1 : i32
    %get3A_345 = arith.index_cast %get3A_344 : i32 to index
    %get3A_346 = arith.constant 256 : index
    %get3A_347 = tpu.vector_load %arg5[%get3A_345, %get3A_346] {strides = array<i32>} : memref<2x512xi32, #tpu.memory_space<vmem>>, vector<1x16xi32>,
    %get3A_348 = vector.shape_cast %get3A_347 : vector<1x16xi32> to vector<16xi32>
    %add3A_349 = arith.addi %mul3A_343, %get3A_348 : vector<16xi32>
    %swap3A_350 = arith.constant 2 : i32
    %swap3A_351 = arith.index_cast %swap3A_350 : i32 to index
    %swap3A_352 = arith.constant 0 : index
    %swap3A_353 = tpu.vector_load %arg6[%swap3A_351, %swap3A_352] {strides = array<i32>} : memref<4x128xi32, #tpu.memory_space<vmem>>, vector<1x16xi32>,
    %swap3A_354 = vector.shape_cast %swap3A_353 : vector<1x16xi32> to vector<16xi32>
    %swap3A_355 = vector.shape_cast %add3A_349 : vector<16xi32> to vector<1x16xi32>
    tpu.vector_store %arg6[%swap3A_351, %swap3A_352], %swap3A_355 {strides = array<i32>} : memref<4x128xi32, #tpu.memory_space<vmem>>, vector<1x16xi32>,
    %get3A_356 = arith.constant 0 : i32
    %get3A_357 = arith.index_cast %get3A_356 : i32 to index
    %get3A_358 = arith.constant 272 : index
    %get3A_359 = tpu.vector_load %arg5[%get3A_357, %get3A_358] {strides = array<i32>} : memref<2x512xi32, #tpu.memory_space<vmem>>, vector<1x16xi32>,
    %get3A_360 = vector.shape_cast %get3A_359 : vector<1x16xi32> to vector<16xi32>
    %mul3A_361 = arith.constant 512 : i32
    %mul3A_362 = vector.broadcast %mul3A_361 : i32 to vector<16xi32>
    %mul3A_363 = arith.muli %get3A_360, %mul3A_362 : vector<16xi32>
    %get3A_364 = arith.constant 1 : i32
    %get3A_365 = arith.index_cast %get3A_364 : i32 to index
    %get3A_366 = arith.constant 272 : index
    %get3A_367 = tpu.vector_load %arg5[%get3A_365, %get3A_366] {strides = array<i32>} : memref<2x512xi32, #tpu.memory_space<vmem>>, vector<1x16xi32>,
    %get3A_368 = vector.shape_cast %get3A_367 : vector<1x16xi32> to vector<16xi32>
    %add3A_369 = arith.addi %mul3A_363, %get3A_368 : vector<16xi32>
    %swap3A_370 = arith.constant 2 : i32
    %swap3A_371 = arith.index_cast %swap3A_370 : i32 to index
    %swap3A_372 = arith.constant 16 : index
    %swap3A_373 = tpu.vector_load %arg6[%swap3A_371, %swap3A_372] {strides = array<i32>} : memref<4x128xi32, #tpu.memory_space<vmem>>, vector<1x16xi32>,
    %swap3A_374 = vector.shape_cast %swap3A_373 : vector<1x16xi32> to vector<16xi32>
    %swap3A_375 = vector.shape_cast %add3A_369 : vector<16xi32> to vector<1x16xi32>
    tpu.vector_store %arg6[%swap3A_371, %swap3A_372], %swap3A_375 {strides = array<i32>} : memref<4x128xi32, #tpu.memory_space<vmem>>, vector<1x16xi32>,
    %get3A_376 = arith.constant 0 : i32
    %get3A_377 = arith.index_cast %get3A_376 : i32 to index
    %get3A_378 = arith.constant 288 : index
    %get3A_379 = tpu.vector_load %arg5[%get3A_377, %get3A_378] {strides = array<i32>} : memref<2x512xi32, #tpu.memory_space<vmem>>, vector<1x16xi32>,
    %get3A_380 = vector.shape_cast %get3A_379 : vector<1x16xi32> to vector<16xi32>
    %mul3A_381 = arith.constant 512 : i32
    %mul3A_382 = vector.broadcast %mul3A_381 : i32 to vector<16xi32>
    %mul3A_383 = arith.muli %get3A_380, %mul3A_382 : vector<16xi32>
    %get3A_384 = arith.constant 1 : i32
    %get3A_385 = arith.index_cast %get3A_384 : i32 to index
    %get3A_386 = arith.constant 288 : index
    %get3A_387 = tpu.vector_load %arg5[%get3A_385, %get3A_386] {strides = array<i32>} : memref<2x512xi32, #tpu.memory_space<vmem>>, vector<1x16xi32>,
    %get3A_388 = vector.shape_cast %get3A_387 : vector<1x16xi32> to vector<16xi32>
    %add3A_389 = arith.addi %mul3A_383, %get3A_388 : vector<16xi32>
    %swap3A_390 = arith.constant 2 : i32
    %swap3A_391 = arith.index_cast %swap3A_390 : i32 to index
    %swap3A_392 = arith.constant 32 : index
    %swap3A_393 = tpu.vector_load %arg6[%swap3A_391, %swap3A_392] {strides = array<i32>} : memref<4x128xi32, #tpu.memory_space<vmem>>, vector<1x16xi32>,
    %swap3A_394 = vector.shape_cast %swap3A_393 : vector<1x16xi32> to vector<16xi32>
    %swap3A_395 = vector.shape_cast %add3A_389 : vector<16xi32> to vector<1x16xi32>
    tpu.vector_store %arg6[%swap3A_391, %swap3A_392], %swap3A_395 {strides = array<i32>} : memref<4x128xi32, #tpu.memory_space<vmem>>, vector<1x16xi32>,
    %get3A_396 = arith.constant 0 : i32
    %get3A_397 = arith.index_cast %get3A_396 : i32 to index
    %get3A_398 = arith.constant 304 : index
    %get3A_399 = tpu.vector_load %arg5[%get3A_397, %get3A_398] {strides = array<i32>} : memref<2x512xi32, #tpu.memory_space<vmem>>, vector<1x16xi32>,
    %get3A_400 = vector.shape_cast %get3A_399 : vector<1x16xi32> to vector<16xi32>
    %mul3A_401 = arith.constant 512 : i32
    %mul3A_402 = vector.broadcast %mul3A_401 : i32 to vector<16xi32>
    %mul3A_403 = arith.muli %get3A_400, %mul3A_402 : vector<16xi32>
    %get3A_404 = arith.constant 1 : i32
    %get3A_405 = arith.index_cast %get3A_404 : i32 to index
    %get3A_406 = arith.constant 304 : index
    %get3A_407 = tpu.vector_load %arg5[%get3A_405, %get3A_406] {strides = array<i32>} : memref<2x512xi32, #tpu.memory_space<vmem>>, vector<1x16xi32>,
    %get3A_408 = vector.shape_cast %get3A_407 : vector<1x16xi32> to vector<16xi32>
    %add3A_409 = arith.addi %mul3A_403, %get3A_408 : vector<16xi32>
    %swap3A_410 = arith.constant 2 : i32
    %swap3A_411 = arith.index_cast %swap3A_410 : i32 to index
    %swap3A_412 = arith.constant 48 : index
    %swap3A_413 = tpu.vector_load %arg6[%swap3A_411, %swap3A_412] {strides = array<i32>} : memref<4x128xi32, #tpu.memory_space<vmem>>, vector<1x16xi32>,
    %swap3A_414 = vector.shape_cast %swap3A_413 : vector<1x16xi32> to vector<16xi32>
    %swap3A_415 = vector.shape_cast %add3A_409 : vector<16xi32> to vector<1x16xi32>
    tpu.vector_store %arg6[%swap3A_411, %swap3A_412], %swap3A_415 {strides = array<i32>} : memref<4x128xi32, #tpu.memory_space<vmem>>, vector<1x16xi32>,
    %get3A_416 = arith.constant 0 : i32
    %get3A_417 = arith.index_cast %get3A_416 : i32 to index
    %get3A_418 = arith.constant 320 : index
    %get3A_419 = tpu.vector_load %arg5[%get3A_417, %get3A_418] {strides = array<i32>} : memref<2x512xi32, #tpu.memory_space<vmem>>, vector<1x16xi32>,
    %get3A_420 = vector.shape_cast %get3A_419 : vector<1x16xi32> to vector<16xi32>
    %mul3A_421 = arith.constant 512 : i32
    %mul3A_422 = vector.broadcast %mul3A_421 : i32 to vector<16xi32>
    %mul3A_423 = arith.muli %get3A_420, %mul3A_422 : vector<16xi32>
    %get3A_424 = arith.constant 1 : i32
    %get3A_425 = arith.index_cast %get3A_424 : i32 to index
    %get3A_426 = arith.constant 320 : index
    %get3A_427 = tpu.vector_load %arg5[%get3A_425, %get3A_426] {strides = array<i32>} : memref<2x512xi32, #tpu.memory_space<vmem>>, vector<1x16xi32>,
    %get3A_428 = vector.shape_cast %get3A_427 : vector<1x16xi32> to vector<16xi32>
    %add3A_429 = arith.addi %mul3A_423, %get3A_428 : vector<16xi32>
    %swap3A_430 = arith.constant 2 : i32
    %swap3A_431 = arith.index_cast %swap3A_430 : i32 to index
    %swap3A_432 = arith.constant 64 : index
    %swap3A_433 = tpu.vector_load %arg6[%swap3A_431, %swap3A_432] {strides = array<i32>} : memref<4x128xi32, #tpu.memory_space<vmem>>, vector<1x16xi32>,
    %swap3A_434 = vector.shape_cast %swap3A_433 : vector<1x16xi32> to vector<16xi32>
    %swap3A_435 = vector.shape_cast %add3A_429 : vector<16xi32> to vector<1x16xi32>
    tpu.vector_store %arg6[%swap3A_431, %swap3A_432], %swap3A_435 {strides = array<i32>} : memref<4x128xi32, #tpu.memory_space<vmem>>, vector<1x16xi32>,
    %get3A_436 = arith.constant 0 : i32
    %get3A_437 = arith.index_cast %get3A_436 : i32 to index
    %get3A_438 = arith.constant 336 : index
    %get3A_439 = tpu.vector_load %arg5[%get3A_437, %get3A_438] {strides = array<i32>} : memref<2x512xi32, #tpu.memory_space<vmem>>, vector<1x16xi32>,
    %get3A_440 = vector.shape_cast %get3A_439 : vector<1x16xi32> to vector<16xi32>
    %mul3A_441 = arith.constant 512 : i32
    %mul3A_442 = vector.broadcast %mul3A_441 : i32 to vector<16xi32>
    %mul3A_443 = arith.muli %get3A_440, %mul3A_442 : vector<16xi32>
    %get3A_444 = arith.constant 1 : i32
    %get3A_445 = arith.index_cast %get3A_444 : i32 to index
    %get3A_446 = arith.constant 336 : index
    %get3A_447 = tpu.vector_load %arg5[%get3A_445, %get3A_446] {strides = array<i32>} : memref<2x512xi32, #tpu.memory_space<vmem>>, vector<1x16xi32>,
    %get3A_448 = vector.shape_cast %get3A_447 : vector<1x16xi32> to vector<16xi32>
    %add3A_449 = arith.addi %mul3A_443, %get3A_448 : vector<16xi32>
    %swap3A_450 = arith.constant 2 : i32
    %swap3A_451 = arith.index_cast %swap3A_450 : i32 to index
    %swap3A_452 = arith.constant 80 : index
    %swap3A_453 = tpu.vector_load %arg6[%swap3A_451, %swap3A_452] {strides = array<i32>} : memref<4x128xi32, #tpu.memory_space<vmem>>, vector<1x16xi32>,
    %swap3A_454 = vector.shape_cast %swap3A_453 : vector<1x16xi32> to vector<16xi32>
    %swap3A_455 = vector.shape_cast %add3A_449 : vector<16xi32> to vector<1x16xi32>
    tpu.vector_store %arg6[%swap3A_451, %swap3A_452], %swap3A_455 {strides = array<i32>} : memref<4x128xi32, #tpu.memory_space<vmem>>, vector<1x16xi32>,
    %get3A_456 = arith.constant 0 : i32
    %get3A_457 = arith.index_cast %get3A_456 : i32 to index
    %get3A_458 = arith.constant 352 : index
    %get3A_459 = tpu.vector_load %arg5[%get3A_457, %get3A_458] {strides = array<i32>} : memref<2x512xi32, #tpu.memory_space<vmem>>, vector<1x16xi32>,
    %get3A_460 = vector.shape_cast %get3A_459 : vector<1x16xi32> to vector<16xi32>
    %mul3A_461 = arith.constant 512 : i32
    %mul3A_462 = vector.broadcast %mul3A_461 : i32 to vector<16xi32>
    %mul3A_463 = arith.muli %get3A_460, %mul3A_462 : vector<16xi32>
    %get3A_464 = arith.constant 1 : i32
    %get3A_465 = arith.index_cast %get3A_464 : i32 to index
    %get3A_466 = arith.constant 352 : index
    %get3A_467 = tpu.vector_load %arg5[%get3A_465, %get3A_466] {strides = array<i32>} : memref<2x512xi32, #tpu.memory_space<vmem>>, vector<1x16xi32>,
    %get3A_468 = vector.shape_cast %get3A_467 : vector<1x16xi32> to vector<16xi32>
    %add3A_469 = arith.addi %mul3A_463, %get3A_468 : vector<16xi32>
    %swap3A_470 = arith.constant 2 : i32
    %swap3A_471 = arith.index_cast %swap3A_470 : i32 to index
    %swap3A_472 = arith.constant 96 : index
    %swap3A_473 = tpu.vector_load %arg6[%swap3A_471, %swap3A_472] {strides = array<i32>} : memref<4x128xi32, #tpu.memory_space<vmem>>, vector<1x16xi32>,
    %swap3A_474 = vector.shape_cast %swap3A_473 : vector<1x16xi32> to vector<16xi32>
    %swap3A_475 = vector.shape_cast %add3A_469 : vector<16xi32> to vector<1x16xi32>
    tpu.vector_store %arg6[%swap3A_471, %swap3A_472], %swap3A_475 {strides = array<i32>} : memref<4x128xi32, #tpu.memory_space<vmem>>, vector<1x16xi32>,
    %get3A_476 = arith.constant 0 : i32
    %get3A_477 = arith.index_cast %get3A_476 : i32 to index
    %get3A_478 = arith.constant 368 : index
    %get3A_479 = tpu.vector_load %arg5[%get3A_477, %get3A_478] {strides = array<i32>} : memref<2x512xi32, #tpu.memory_space<vmem>>, vector<1x16xi32>,
    %get3A_480 = vector.shape_cast %get3A_479 : vector<1x16xi32> to vector<16xi32>
    %mul3A_481 = arith.constant 512 : i32
    %mul3A_482 = vector.broadcast %mul3A_481 : i32 to vector<16xi32>
    %mul3A_483 = arith.muli %get3A_480, %mul3A_482 : vector<16xi32>
    %get3A_484 = arith.constant 1 : i32
    %get3A_485 = arith.index_cast %get3A_484 : i32 to index
    %get3A_486 = arith.constant 368 : index
    %get3A_487 = tpu.vector_load %arg5[%get3A_485, %get3A_486] {strides = array<i32>} : memref<2x512xi32, #tpu.memory_space<vmem>>, vector<1x16xi32>,
    %get3A_488 = vector.shape_cast %get3A_487 : vector<1x16xi32> to vector<16xi32>
    %add3A_489 = arith.addi %mul3A_483, %get3A_488 : vector<16xi32>
    %swap3A_490 = arith.constant 2 : i32
    %swap3A_491 = arith.index_cast %swap3A_490 : i32 to index
    %swap3A_492 = arith.constant 112 : index
    %swap3A_493 = tpu.vector_load %arg6[%swap3A_491, %swap3A_492] {strides = array<i32>} : memref<4x128xi32, #tpu.memory_space<vmem>>, vector<1x16xi32>,
    %swap3A_494 = vector.shape_cast %swap3A_493 : vector<1x16xi32> to vector<16xi32>
    %swap3A_495 = vector.shape_cast %add3A_489 : vector<16xi32> to vector<1x16xi32>
    tpu.vector_store %arg6[%swap3A_491, %swap3A_492], %swap3A_495 {strides = array<i32>} : memref<4x128xi32, #tpu.memory_space<vmem>>, vector<1x16xi32>,
    %dma_start3A_496 = arith.constant 2 : i32
    %dma_start3A_497 = arith.constant 256 : i32
    %dma_start3A_498 = tpu.memref_slice %arg7[%dma_start3A_497] : memref<512xf32, #tpu.memory_space<vmem>> -> memref<128xf32, #tpu.memory_space<vmem>>
    %dma_start3A_499 = arith.constant 0 : i32
    %dma_start3A_500 = tpu.memref_slice %arg6[%dma_start3A_496, %dma_start3A_499] : memref<4x128xi32, #tpu.memory_space<vmem>> -> memref<1x128xi32, #tpu.memory_space<vmem>>
    %dma_start3A_501 = tpu.memref_squeeze %dma_start3A_500 : memref<1x128xi32, #tpu.memory_space<vmem>> -> memref<128xi32, #tpu.memory_space<vmem>>
    %dma_start3A_502 = arith.constant 0 : i32
    %dma_start3A_503 = tpu.memref_slice %arg2[%dma_start3A_502] : memref<262144xf32, #tpu.memory_space<hbm>> -> memref<262144xf32, #tpu.memory_space<hbm>>
    tpu.enqueue_indirect_dma source(%dma_start3A_503 : memref<262144xf32, #tpu.memory_space<hbm>>) target(%dma_start3A_498 : memref<128xf32, #tpu.memory_space<vmem>>) offsets(%dma_start3A_501 : memref<128xi32, #tpu.memory_space<vmem>>) semaphore(%arg8 : memref<!tpu.dma_semaphore, #tpu.memory_space<semaphore_mem>>)
    %get3A_504 = arith.constant 0 : i32
    %get3A_505 = arith.index_cast %get3A_504 : i32 to index
    %get3A_506 = arith.constant 384 : index
    %get3A_507 = tpu.vector_load %arg5[%get3A_505, %get3A_506] {strides = array<i32>} : memref<2x512xi32, #tpu.memory_space<vmem>>, vector<1x16xi32>,
    %get3A_508 = vector.shape_cast %get3A_507 : vector<1x16xi32> to vector<16xi32>
    %mul3A_509 = arith.constant 512 : i32
    %mul3A_510 = vector.broadcast %mul3A_509 : i32 to vector<16xi32>
    %mul3A_511 = arith.muli %get3A_508, %mul3A_510 : vector<16xi32>
    %get3A_512 = arith.constant 1 : i32
    %get3A_513 = arith.index_cast %get3A_512 : i32 to index
    %get3A_514 = arith.constant 384 : index
    %get3A_515 = tpu.vector_load %arg5[%get3A_513, %get3A_514] {strides = array<i32>} : memref<2x512xi32, #tpu.memory_space<vmem>>, vector<1x16xi32>,
    %get3A_516 = vector.shape_cast %get3A_515 : vector<1x16xi32> to vector<16xi32>
    %add3A_517 = arith.addi %mul3A_511, %get3A_516 : vector<16xi32>
    %swap3A_518 = arith.constant 3 : i32
    %swap3A_519 = arith.index_cast %swap3A_518 : i32 to index
    %swap3A_520 = arith.constant 0 : index
    %swap3A_521 = tpu.vector_load %arg6[%swap3A_519, %swap3A_520] {strides = array<i32>} : memref<4x128xi32, #tpu.memory_space<vmem>>, vector<1x16xi32>,
    %swap3A_522 = vector.shape_cast %swap3A_521 : vector<1x16xi32> to vector<16xi32>
    %swap3A_523 = vector.shape_cast %add3A_517 : vector<16xi32> to vector<1x16xi32>
    tpu.vector_store %arg6[%swap3A_519, %swap3A_520], %swap3A_523 {strides = array<i32>} : memref<4x128xi32, #tpu.memory_space<vmem>>, vector<1x16xi32>,
    %get3A_524 = arith.constant 0 : i32
    %get3A_525 = arith.index_cast %get3A_524 : i32 to index
    %get3A_526 = arith.constant 400 : index
    %get3A_527 = tpu.vector_load %arg5[%get3A_525, %get3A_526] {strides = array<i32>} : memref<2x512xi32, #tpu.memory_space<vmem>>, vector<1x16xi32>,
    %get3A_528 = vector.shape_cast %get3A_527 : vector<1x16xi32> to vector<16xi32>
    %mul3A_529 = arith.constant 512 : i32
    %mul3A_530 = vector.broadcast %mul3A_529 : i32 to vector<16xi32>
    %mul3A_531 = arith.muli %get3A_528, %mul3A_530 : vector<16xi32>
    %get3A_532 = arith.constant 1 : i32
    %get3A_533 = arith.index_cast %get3A_532 : i32 to index
    %get3A_534 = arith.constant 400 : index
    %get3A_535 = tpu.vector_load %arg5[%get3A_533, %get3A_534] {strides = array<i32>} : memref<2x512xi32, #tpu.memory_space<vmem>>, vector<1x16xi32>,
    %get3A_536 = vector.shape_cast %get3A_535 : vector<1x16xi32> to vector<16xi32>
    %add3A_537 = arith.addi %mul3A_531, %get3A_536 : vector<16xi32>
    %swap3A_538 = arith.constant 3 : i32
    %swap3A_539 = arith.index_cast %swap3A_538 : i32 to index
    %swap3A_540 = arith.constant 16 : index
    %swap3A_541 = tpu.vector_load %arg6[%swap3A_539, %swap3A_540] {strides = array<i32>} : memref<4x128xi32, #tpu.memory_space<vmem>>, vector<1x16xi32>,
    %swap3A_542 = vector.shape_cast %swap3A_541 : vector<1x16xi32> to vector<16xi32>
    %swap3A_543 = vector.shape_cast %add3A_537 : vector<16xi32> to vector<1x16xi32>
    tpu.vector_store %arg6[%swap3A_539, %swap3A_540], %swap3A_543 {strides = array<i32>} : memref<4x128xi32, #tpu.memory_space<vmem>>, vector<1x16xi32>,
    %get3A_544 = arith.constant 0 : i32
    %get3A_545 = arith.index_cast %get3A_544 : i32 to index
    %get3A_546 = arith.constant 416 : index
    %get3A_547 = tpu.vector_load %arg5[%get3A_545, %get3A_546] {strides = array<i32>} : memref<2x512xi32, #tpu.memory_space<vmem>>, vector<1x16xi32>,
    %get3A_548 = vector.shape_cast %get3A_547 : vector<1x16xi32> to vector<16xi32>
    %mul3A_549 = arith.constant 512 : i32
    %mul3A_550 = vector.broadcast %mul3A_549 : i32 to vector<16xi32>
    %mul3A_551 = arith.muli %get3A_548, %mul3A_550 : vector<16xi32>
    %get3A_552 = arith.constant 1 : i32
    %get3A_553 = arith.index_cast %get3A_552 : i32 to index
    %get3A_554 = arith.constant 416 : index
    %get3A_555 = tpu.vector_load %arg5[%get3A_553, %get3A_554] {strides = array<i32>} : memref<2x512xi32, #tpu.memory_space<vmem>>, vector<1x16xi32>,
    %get3A_556 = vector.shape_cast %get3A_555 : vector<1x16xi32> to vector<16xi32>
    %add3A_557 = arith.addi %mul3A_551, %get3A_556 : vector<16xi32>
    %swap3A_558 = arith.constant 3 : i32
    %swap3A_559 = arith.index_cast %swap3A_558 : i32 to index
    %swap3A_560 = arith.constant 32 : index
    %swap3A_561 = tpu.vector_load %arg6[%swap3A_559, %swap3A_560] {strides = array<i32>} : memref<4x128xi32, #tpu.memory_space<vmem>>, vector<1x16xi32>,
    %swap3A_562 = vector.shape_cast %swap3A_561 : vector<1x16xi32> to vector<16xi32>
    %swap3A_563 = vector.shape_cast %add3A_557 : vector<16xi32> to vector<1x16xi32>
    tpu.vector_store %arg6[%swap3A_559, %swap3A_560], %swap3A_563 {strides = array<i32>} : memref<4x128xi32, #tpu.memory_space<vmem>>, vector<1x16xi32>,
    %get3A_564 = arith.constant 0 : i32
    %get3A_565 = arith.index_cast %get3A_564 : i32 to index
    %get3A_566 = arith.constant 432 : index
    %get3A_567 = tpu.vector_load %arg5[%get3A_565, %get3A_566] {strides = array<i32>} : memref<2x512xi32, #tpu.memory_space<vmem>>, vector<1x16xi32>,
    %get3A_568 = vector.shape_cast %get3A_567 : vector<1x16xi32> to vector<16xi32>
    %mul3A_569 = arith.constant 512 : i32
    %mul3A_570 = vector.broadcast %mul3A_569 : i32 to vector<16xi32>
    %mul3A_571 = arith.muli %get3A_568, %mul3A_570 : vector<16xi32>
    %get3A_572 = arith.constant 1 : i32
    %get3A_573 = arith.index_cast %get3A_572 : i32 to index
    %get3A_574 = arith.constant 432 : index
    %get3A_575 = tpu.vector_load %arg5[%get3A_573, %get3A_574] {strides = array<i32>} : memref<2x512xi32, #tpu.memory_space<vmem>>, vector<1x16xi32>,
    %get3A_576 = vector.shape_cast %get3A_575 : vector<1x16xi32> to vector<16xi32>
    %add3A_577 = arith.addi %mul3A_571, %get3A_576 : vector<16xi32>
    %swap3A_578 = arith.constant 3 : i32
    %swap3A_579 = arith.index_cast %swap3A_578 : i32 to index
    %swap3A_580 = arith.constant 48 : index
    %swap3A_581 = tpu.vector_load %arg6[%swap3A_579, %swap3A_580] {strides = array<i32>} : memref<4x128xi32, #tpu.memory_space<vmem>>, vector<1x16xi32>,
    %swap3A_582 = vector.shape_cast %swap3A_581 : vector<1x16xi32> to vector<16xi32>
    %swap3A_583 = vector.shape_cast %add3A_577 : vector<16xi32> to vector<1x16xi32>
    tpu.vector_store %arg6[%swap3A_579, %swap3A_580], %swap3A_583 {strides = array<i32>} : memref<4x128xi32, #tpu.memory_space<vmem>>, vector<1x16xi32>,
    %get3A_584 = arith.constant 0 : i32
    %get3A_585 = arith.index_cast %get3A_584 : i32 to index
    %get3A_586 = arith.constant 448 : index
    %get3A_587 = tpu.vector_load %arg5[%get3A_585, %get3A_586] {strides = array<i32>} : memref<2x512xi32, #tpu.memory_space<vmem>>, vector<1x16xi32>,
    %get3A_588 = vector.shape_cast %get3A_587 : vector<1x16xi32> to vector<16xi32>
    %mul3A_589 = arith.constant 512 : i32
    %mul3A_590 = vector.broadcast %mul3A_589 : i32 to vector<16xi32>
    %mul3A_591 = arith.muli %get3A_588, %mul3A_590 : vector<16xi32>
    %get3A_592 = arith.constant 1 : i32
    %get3A_593 = arith.index_cast %get3A_592 : i32 to index
    %get3A_594 = arith.constant 448 : index
    %get3A_595 = tpu.vector_load %arg5[%get3A_593, %get3A_594] {strides = array<i32>} : memref<2x512xi32, #tpu.memory_space<vmem>>, vector<1x16xi32>,
    %get3A_596 = vector.shape_cast %get3A_595 : vector<1x16xi32> to vector<16xi32>
    %add3A_597 = arith.addi %mul3A_591, %get3A_596 : vector<16xi32>
    %swap3A_598 = arith.constant 3 : i32
    %swap3A_599 = arith.index_cast %swap3A_598 : i32 to index
    %swap3A_600 = arith.constant 64 : index
    %swap3A_601 = tpu.vector_load %arg6[%swap3A_599, %swap3A_600] {strides = array<i32>} : memref<4x128xi32, #tpu.memory_space<vmem>>, vector<1x16xi32>,
    %swap3A_602 = vector.shape_cast %swap3A_601 : vector<1x16xi32> to vector<16xi32>
    %swap3A_603 = vector.shape_cast %add3A_597 : vector<16xi32> to vector<1x16xi32>
    tpu.vector_store %arg6[%swap3A_599, %swap3A_600], %swap3A_603 {strides = array<i32>} : memref<4x128xi32, #tpu.memory_space<vmem>>, vector<1x16xi32>,
    %get3A_604 = arith.constant 0 : i32
    %get3A_605 = arith.index_cast %get3A_604 : i32 to index
    %get3A_606 = arith.constant 464 : index
    %get3A_607 = tpu.vector_load %arg5[%get3A_605, %get3A_606] {strides = array<i32>} : memref<2x512xi32, #tpu.memory_space<vmem>>, vector<1x16xi32>,
    %get3A_608 = vector.shape_cast %get3A_607 : vector<1x16xi32> to vector<16xi32>
    %mul3A_609 = arith.constant 512 : i32
    %mul3A_610 = vector.broadcast %mul3A_609 : i32 to vector<16xi32>
    %mul3A_611 = arith.muli %get3A_608, %mul3A_610 : vector<16xi32>
    %get3A_612 = arith.constant 1 : i32
    %get3A_613 = arith.index_cast %get3A_612 : i32 to index
    %get3A_614 = arith.constant 464 : index
    %get3A_615 = tpu.vector_load %arg5[%get3A_613, %get3A_614] {strides = array<i32>} : memref<2x512xi32, #tpu.memory_space<vmem>>, vector<1x16xi32>,
    %get3A_616 = vector.shape_cast %get3A_615 : vector<1x16xi32> to vector<16xi32>
    %add3A_617 = arith.addi %mul3A_611, %get3A_616 : vector<16xi32>
    %swap3A_618 = arith.constant 3 : i32
    %swap3A_619 = arith.index_cast %swap3A_618 : i32 to index
    %swap3A_620 = arith.constant 80 : index
    %swap3A_621 = tpu.vector_load %arg6[%swap3A_619, %swap3A_620] {strides = array<i32>} : memref<4x128xi32, #tpu.memory_space<vmem>>, vector<1x16xi32>,
    %swap3A_622 = vector.shape_cast %swap3A_621 : vector<1x16xi32> to vector<16xi32>
    %swap3A_623 = vector.shape_cast %add3A_617 : vector<16xi32> to vector<1x16xi32>
    tpu.vector_store %arg6[%swap3A_619, %swap3A_620], %swap3A_623 {strides = array<i32>} : memref<4x128xi32, #tpu.memory_space<vmem>>, vector<1x16xi32>,
    %get3A_624 = arith.constant 0 : i32
    %get3A_625 = arith.index_cast %get3A_624 : i32 to index
    %get3A_626 = arith.constant 480 : index
    %get3A_627 = tpu.vector_load %arg5[%get3A_625, %get3A_626] {strides = array<i32>} : memref<2x512xi32, #tpu.memory_space<vmem>>, vector<1x16xi32>,
    %get3A_628 = vector.shape_cast %get3A_627 : vector<1x16xi32> to vector<16xi32>
    %mul3A_629 = arith.constant 512 : i32
    %mul3A_630 = vector.broadcast %mul3A_629 : i32 to vector<16xi32>
    %mul3A_631 = arith.muli %get3A_628, %mul3A_630 : vector<16xi32>
    %get3A_632 = arith.constant 1 : i32
    %get3A_633 = arith.index_cast %get3A_632 : i32 to index
    %get3A_634 = arith.constant 480 : index
    %get3A_635 = tpu.vector_load %arg5[%get3A_633, %get3A_634] {strides = array<i32>} : memref<2x512xi32, #tpu.memory_space<vmem>>, vector<1x16xi32>,
    %get3A_636 = vector.shape_cast %get3A_635 : vector<1x16xi32> to vector<16xi32>
    %add3A_637 = arith.addi %mul3A_631, %get3A_636 : vector<16xi32>
    %swap3A_638 = arith.constant 3 : i32
    %swap3A_639 = arith.index_cast %swap3A_638 : i32 to index
    %swap3A_640 = arith.constant 96 : index
    %swap3A_641 = tpu.vector_load %arg6[%swap3A_639, %swap3A_640] {strides = array<i32>} : memref<4x128xi32, #tpu.memory_space<vmem>>, vector<1x16xi32>,
    %swap3A_642 = vector.shape_cast %swap3A_641 : vector<1x16xi32> to vector<16xi32>
    %swap3A_643 = vector.shape_cast %add3A_637 : vector<16xi32> to vector<1x16xi32>
    tpu.vector_store %arg6[%swap3A_639, %swap3A_640], %swap3A_643 {strides = array<i32>} : memref<4x128xi32, #tpu.memory_space<vmem>>, vector<1x16xi32>,
    %get3A_644 = arith.constant 0 : i32
    %get3A_645 = arith.index_cast %get3A_644 : i32 to index
    %get3A_646 = arith.constant 496 : index
    %get3A_647 = tpu.vector_load %arg5[%get3A_645, %get3A_646] {strides = array<i32>} : memref<2x512xi32, #tpu.memory_space<vmem>>, vector<1x16xi32>,
    %get3A_648 = vector.shape_cast %get3A_647 : vector<1x16xi32> to vector<16xi32>
    %mul3A_649 = arith.constant 512 : i32
    %mul3A_650 = vector.broadcast %mul3A_649 : i32 to vector<16xi32>
    %mul3A_651 = arith.muli %get3A_648, %mul3A_650 : vector<16xi32>
    %get3A_652 = arith.constant 1 : i32
    %get3A_653 = arith.index_cast %get3A_652 : i32 to index
    %get3A_654 = arith.constant 496 : index
    %get3A_655 = tpu.vector_load %arg5[%get3A_653, %get3A_654] {strides = array<i32>} : memref<2x512xi32, #tpu.memory_space<vmem>>, vector<1x16xi32>,
    %get3A_656 = vector.shape_cast %get3A_655 : vector<1x16xi32> to vector<16xi32>
    %add3A_657 = arith.addi %mul3A_651, %get3A_656 : vector<16xi32>
    %swap3A_658 = arith.constant 3 : i32
    %swap3A_659 = arith.index_cast %swap3A_658 : i32 to index
    %swap3A_660 = arith.constant 112 : index
    %swap3A_661 = tpu.vector_load %arg6[%swap3A_659, %swap3A_660] {strides = array<i32>} : memref<4x128xi32, #tpu.memory_space<vmem>>, vector<1x16xi32>,
    %swap3A_662 = vector.shape_cast %swap3A_661 : vector<1x16xi32> to vector<16xi32>
    %swap3A_663 = vector.shape_cast %add3A_657 : vector<16xi32> to vector<1x16xi32>
    tpu.vector_store %arg6[%swap3A_659, %swap3A_660], %swap3A_663 {strides = array<i32>} : memref<4x128xi32, #tpu.memory_space<vmem>>, vector<1x16xi32>,
    %dma_start3A_664 = arith.constant 3 : i32
    %dma_start3A_665 = arith.constant 384 : i32
    %dma_start3A_666 = tpu.memref_slice %arg7[%dma_start3A_665] : memref<512xf32, #tpu.memory_space<vmem>> -> memref<128xf32, #tpu.memory_space<vmem>>
    %dma_start3A_667 = arith.constant 0 : i32
    %dma_start3A_668 = tpu.memref_slice %arg6[%dma_start3A_664, %dma_start3A_667] : memref<4x128xi32, #tpu.memory_space<vmem>> -> memref<1x128xi32, #tpu.memory_space<vmem>>
    %dma_start3A_669 = tpu.memref_squeeze %dma_start3A_668 : memref<1x128xi32, #tpu.memory_space<vmem>> -> memref<128xi32, #tpu.memory_space<vmem>>
    %dma_start3A_670 = arith.constant 0 : i32
    %dma_start3A_671 = tpu.memref_slice %arg2[%dma_start3A_670] : memref<262144xf32, #tpu.memory_space<hbm>> -> memref<262144xf32, #tpu.memory_space<hbm>>
    tpu.enqueue_indirect_dma source(%dma_start3A_671 : memref<262144xf32, #tpu.memory_space<hbm>>) target(%dma_start3A_666 : memref<128xf32, #tpu.memory_space<vmem>>) offsets(%dma_start3A_669 : memref<128xi32, #tpu.memory_space<vmem>>) semaphore(%arg8 : memref<!tpu.dma_semaphore, #tpu.memory_space<semaphore_mem>>)
    %dma_wait3A = arith.constant 0 : i32
    %dma_wait3A_672 = arith.constant 0 : i32
    %dma_wait3A_673 = tpu.memref_slice %arg7[%dma_wait3A_672] : memref<512xf32, #tpu.memory_space<vmem>> -> memref<128xf32, #tpu.memory_space<vmem>>
    %dma_wait3A_674 = arith.constant 0 : i32
    %dma_wait3A_675 = tpu.memref_slice %arg6[%dma_wait3A, %dma_wait3A_674] : memref<4x128xi32, #tpu.memory_space<vmem>> -> memref<1x128xi32, #tpu.memory_space<vmem>>
    %dma_wait3A_676 = tpu.memref_squeeze %dma_wait3A_675 : memref<1x128xi32, #tpu.memory_space<vmem>> -> memref<128xi32, #tpu.memory_space<vmem>>
    %dma_wait3A_677 = arith.constant 0 : i32
    %dma_wait3A_678 = tpu.memref_slice %arg2[%dma_wait3A_677] : memref<262144xf32, #tpu.memory_space<hbm>> -> memref<262144xf32, #tpu.memory_space<hbm>>
    tpu.wait_indirect_dma semaphore(%arg8 : memref<!tpu.dma_semaphore, #tpu.memory_space<semaphore_mem>>) src(%dma_wait3A_678 : memref<262144xf32, #tpu.memory_space<hbm>>) dst(%dma_wait3A_673 : memref<128xf32, #tpu.memory_space<vmem>>)
    %dma_wait3A_679 = arith.constant 1 : i32
    %dma_wait3A_680 = arith.constant 128 : i32
    %dma_wait3A_681 = tpu.memref_slice %arg7[%dma_wait3A_680] : memref<512xf32, #tpu.memory_space<vmem>> -> memref<128xf32, #tpu.memory_space<vmem>>
    %dma_wait3A_682 = arith.constant 0 : i32
    %dma_wait3A_683 = tpu.memref_slice %arg6[%dma_wait3A_679, %dma_wait3A_682] : memref<4x128xi32, #tpu.memory_space<vmem>> -> memref<1x128xi32, #tpu.memory_space<vmem>>
    %dma_wait3A_684 = tpu.memref_squeeze %dma_wait3A_683 : memref<1x128xi32, #tpu.memory_space<vmem>> -> memref<128xi32, #tpu.memory_space<vmem>>
    %dma_wait3A_685 = arith.constant 0 : i32
    %dma_wait3A_686 = tpu.memref_slice %arg2[%dma_wait3A_685] : memref<262144xf32, #tpu.memory_space<hbm>> -> memref<262144xf32, #tpu.memory_space<hbm>>
    tpu.wait_indirect_dma semaphore(%arg8 : memref<!tpu.dma_semaphore, #tpu.memory_space<semaphore_mem>>) src(%dma_wait3A_686 : memref<262144xf32, #tpu.memory_space<hbm>>) dst(%dma_wait3A_681 : memref<128xf32, #tpu.memory_space<vmem>>)
    %dma_wait3A_687 = arith.constant 2 : i32
    %dma_wait3A_688 = arith.constant 256 : i32
    %dma_wait3A_689 = tpu.memref_slice %arg7[%dma_wait3A_688] : memref<512xf32, #tpu.memory_space<vmem>> -> memref<128xf32, #tpu.memory_space<vmem>>
    %dma_wait3A_690 = arith.constant 0 : i32
    %dma_wait3A_691 = tpu.memref_slice %arg6[%dma_wait3A_687, %dma_wait3A_690] : memref<4x128xi32, #tpu.memory_space<vmem>> -> memref<1x128xi32, #tpu.memory_space<vmem>>
    %dma_wait3A_692 = tpu.memref_squeeze %dma_wait3A_691 : memref<1x128xi32, #tpu.memory_space<vmem>> -> memref<128xi32, #tpu.memory_space<vmem>>
    %dma_wait3A_693 = arith.constant 0 : i32
    %dma_wait3A_694 = tpu.memref_slice %arg2[%dma_wait3A_693] : memref<262144xf32, #tpu.memory_space<hbm>> -> memref<262144xf32, #tpu.memory_space<hbm>>
    tpu.wait_indirect_dma semaphore(%arg8 : memref<!tpu.dma_semaphore, #tpu.memory_space<semaphore_mem>>) src(%dma_wait3A_694 : memref<262144xf32, #tpu.memory_space<hbm>>) dst(%dma_wait3A_689 : memref<128xf32, #tpu.memory_space<vmem>>)
    %dma_wait3A_695 = arith.constant 3 : i32
    %dma_wait3A_696 = arith.constant 384 : i32
    %dma_wait3A_697 = tpu.memref_slice %arg7[%dma_wait3A_696] : memref<512xf32, #tpu.memory_space<vmem>> -> memref<128xf32, #tpu.memory_space<vmem>>
    %dma_wait3A_698 = arith.constant 0 : i32
    %dma_wait3A_699 = tpu.memref_slice %arg6[%dma_wait3A_695, %dma_wait3A_698] : memref<4x128xi32, #tpu.memory_space<vmem>> -> memref<1x128xi32, #tpu.memory_space<vmem>>
    %dma_wait3A_700 = tpu.memref_squeeze %dma_wait3A_699 : memref<1x128xi32, #tpu.memory_space<vmem>> -> memref<128xi32, #tpu.memory_space<vmem>>
    %dma_wait3A_701 = arith.constant 0 : i32
    %dma_wait3A_702 = tpu.memref_slice %arg2[%dma_wait3A_701] : memref<262144xf32, #tpu.memory_space<hbm>> -> memref<262144xf32, #tpu.memory_space<hbm>>
    tpu.wait_indirect_dma semaphore(%arg8 : memref<!tpu.dma_semaphore, #tpu.memory_space<semaphore_mem>>) src(%dma_wait3A_702 : memref<262144xf32, #tpu.memory_space<hbm>>) dst(%dma_wait3A_697 : memref<128xf32, #tpu.memory_space<vmem>>)
    "tpu.region"() ({
      %run_scoped3A = tpu.sem_alloc : memref<!tpu.dma_semaphore, #tpu.memory_space<semaphore_mem>>
      %dma_start3A_703 = tpu.memref_slice %arg4[%mul3A_2] : memref<16384xf32, #tpu.memory_space<hbm>> -> memref<512xf32, #tpu.memory_space<hbm>>
      %dma_start3A_704 = tpu.memref_slice %arg4[%mul3A_2] : memref<16384xf32, #tpu.memory_space<hbm>> -> memref<512xf32, #tpu.memory_space<hbm>>
      tpu.enqueue_dma source(%arg7 : memref<512xf32, #tpu.memory_space<vmem>>) target(%dma_start3A_704 : memref<512xf32, #tpu.memory_space<hbm>>) target_semaphore(%run_scoped3A : memref<!tpu.dma_semaphore, #tpu.memory_space<semaphore_mem>>)
      %dma_wait3A_705 = tpu.memref_slice %arg4[%mul3A_2] : memref<16384xf32, #tpu.memory_space<hbm>> -> memref<512xf32, #tpu.memory_space<hbm>>
      %dma_wait3A_706 = tpu.memref_slice %arg4[%mul3A_2] : memref<16384xf32, #tpu.memory_space<hbm>> -> memref<512xf32, #tpu.memory_space<hbm>>
      tpu.wait_dma2 semaphore(%run_scoped3A : memref<!tpu.dma_semaphore, #tpu.memory_space<semaphore_mem>>) src(%arg7 : memref<512xf32, #tpu.memory_space<vmem>>) dst(%dma_wait3A_706 : memref<512xf32, #tpu.memory_space<hbm>>)
      tpu.yield
    }) : () -> ()
    return
  }
}

module attributes {stable_mosaic.version = 14 : i64} {
  func.func @_tc_body(%arg0: i32, %arg1: memref<1xf32, #tpu.memory_space<smem>>, %arg2: memref<1024x512xf32, #tpu.memory_space<vmem>>, %arg3: memref<2048xi32, #tpu.memory_space<vmem>>, %arg4: memref<2048xf32, #tpu.memory_space<vmem>>, %arg5: memref<1024x2048xf32, #tpu.memory_space<vmem>>, %arg6: memref<1024x512xbf16, #tpu.memory_space<vmem>>) attributes {dimension_semantics = [#tpu.dimension_semantics<arbitrary>], iteration_bounds = array<i64: 8>, scalar_prefetch = 0 : i64, scratch_operands = 1 : i64, tpu.core_type = #tpu.core_type<tc>, window_params = [{transform_indices = @transform_0, window_bounds = array<i64: 1>}, {pipeline_mode = #tpu.pipeline_mode<synchronous>, transform_indices = @transform_1, window_bounds = array<i64: 1024, 512>}, {transform_indices = @transform_2, window_bounds = array<i64: 2048>}, {transform_indices = @transform_3, window_bounds = array<i64: 2048>}, {transform_indices = @transform_4, window_bounds = array<i64: 1024, 2048>}]} {
    %eq3A = arith.constant 0 : i32
    %eq3A_0 = arith.cmpi eq, %arg0, %eq3A : i32
    %convert_element_type3A = arith.extui %eq3A_0 : i1 to i32
    %cond3A = arith.constant 0 : i32
    %cond3A_1 = arith.cmpi ne, %convert_element_type3A, %cond3A : i32
    scf.if %cond3A_1 {
      %get3A_26 = arith.constant 0 : index
      %get3A_27 = memref.load %arg1[%get3A_26] : memref<1xf32, #tpu.memory_space<smem>>
      %neg3A = arith.constant 0.000000e+00 : f32
      %neg3A_28 = arith.subf %neg3A, %get3A_27 : f32
      %get3A_29 = arith.constant 0 : index
      %get3A_30 = arith.constant 0 : index
      %get3A_31 = vector.load %arg2[%get3A_29, %get3A_30] : memref<1024x512xf32, #tpu.memory_space<vmem>>, vector<1024x512xf32>
      %mul3A_32 = vector.broadcast %neg3A_28 : f32 to vector<1024x512xf32>
      %mul3A_33 = arith.mulf %mul3A_32, %get3A_31 : vector<1024x512xf32>
      %exp3A_34 = math.exp %mul3A_33 : vector<1024x512xf32>
      %convert_element_type3A_35 = arith.truncf %exp3A_34 : vector<1024x512xf32> to vector<1024x512xbf16>
      %swap3A_36 = arith.constant 0 : index
      %swap3A_37 = arith.constant 0 : index
      %swap3A_38 = vector.load %arg6[%swap3A_36, %swap3A_37] : memref<1024x512xbf16, #tpu.memory_space<vmem>>, vector<1024x512xbf16>
      tpu.vector_store %arg6[%swap3A_36, %swap3A_37], %convert_element_type3A_35 {strides = array<i32>} : memref<1024x512xbf16, #tpu.memory_space<vmem>>, vector<1024x512xbf16>,
    } else {
    }
    %get3A = arith.constant 0 : index
    %get3A_2 = vector.load %arg3[%get3A] : memref<2048xi32, #tpu.memory_space<vmem>>, vector<2048xi32>
    %iota3A = tpu.iota {dimensions = array<i32: 0>} : vector<512x2048xi32>
    %broadcast_in_dim3A = vector.shape_cast %get3A_2 : vector<2048xi32> to vector<1x2048xi32>
    %eq3A_3 = vector.broadcast %broadcast_in_dim3A : vector<1x2048xi32> to vector<512x2048xi32>
    %eq3A_4 = arith.cmpi eq, %iota3A, %eq3A_3 : vector<512x2048xi32>
    %convert_element_type3A_5 = arith.extui %eq3A_4 : vector<512x2048xi1> to vector<512x2048xi32>
    %convert_element_type3A_6 = arith.sitofp %convert_element_type3A_5 : vector<512x2048xi32> to vector<512x2048xf32>
    %convert_element_type3A_7 = arith.truncf %convert_element_type3A_6 : vector<512x2048xf32> to vector<512x2048xbf16>
    %get3A_8 = arith.constant 0 : index
    %get3A_9 = arith.constant 0 : index
    %get3A_10 = vector.load %arg6[%get3A_8, %get3A_9] : memref<1024x512xbf16, #tpu.memory_space<vmem>>, vector<1024x512xbf16>
    %dot_general3A = arith.constant dense<0.000000e+00> : vector<1024x2048xf32>
    %dot_general3A_11 = tpu.matmul %get3A_10, %convert_element_type3A_7, %dot_general3A {dimension_numbers = #tpu.dot_dimension_numbers<[1], [0], [0], [1], [0, 0, 1, 1], [], []>, transpose_lhs_hint = false} : vector<1024x512xbf16>, vector<512x2048xbf16>, vector<1024x2048xf32> -> vector<1024x2048xf32>
    %get3A_12 = arith.constant 0 : index
    %get3A_13 = memref.load %arg1[%get3A_12] : memref<1xf32, #tpu.memory_space<smem>>
    %get3A_14 = arith.constant 0 : index
    %get3A_15 = vector.load %arg4[%get3A_14] : memref<2048xf32, #tpu.memory_space<vmem>>, vector<2048xf32>
    %mul3A = vector.broadcast %get3A_13 : f32 to vector<2048xf32>
    %mul3A_16 = arith.mulf %mul3A, %get3A_15 : vector<2048xf32>
    %exp3A = math.exp %mul3A_16 : vector<2048xf32>
    %broadcast_in_dim3A_17 = vector.shape_cast %exp3A : vector<2048xf32> to vector<1x2048xf32>
    %mul3A_18 = vector.broadcast %broadcast_in_dim3A_17 : vector<1x2048xf32> to vector<1024x2048xf32>
    %mul3A_19 = arith.mulf %dot_general3A_11, %mul3A_18 : vector<1024x2048xf32>
    %sub3A = arith.constant 1.000000e+00 : f32
    %sub3A_20 = vector.broadcast %sub3A : f32 to vector<1024x2048xf32>
    %sub3A_21 = arith.subf %sub3A_20, %mul3A_19 : vector<1024x2048xf32>
    %max3A = arith.constant 2.500000e-01 : f32
    %max3A_22 = vector.broadcast %max3A : f32 to vector<1024x2048xf32>
    %max3A_23 = arith.maximumf %max3A_22, %sub3A_21 : vector<1024x2048xf32>
    %swap3A = arith.constant 0 : index
    %swap3A_24 = arith.constant 0 : index
    %swap3A_25 = vector.load %arg5[%swap3A, %swap3A_24] : memref<1024x2048xf32, #tpu.memory_space<vmem>>, vector<1024x2048xf32>
    tpu.vector_store %arg5[%swap3A, %swap3A_24], %max3A_23 {strides = array<i32>} : memref<1024x2048xf32, #tpu.memory_space<vmem>>, vector<1024x2048xf32>,
    return
  }
  func.func @transform_0(%arg0: i32) -> i32 {
    %c0_i32 = arith.constant 0 : i32
    %c0_i32_0 = arith.constant 0 : i32
    return %c0_i32 : i32
  }
  func.func @transform_1(%arg0: i32) -> (i32, i32) {
    %c0_i32 = arith.constant 0 : i32
    %c0_i32_0 = arith.constant 0 : i32
    %c0_i32_1 = arith.constant 0 : i32
    return %c0_i32, %c0_i32_0 : i32, i32
  }
  func.func @transform_2(%arg0: i32) -> i32 {
    %c0_i32 = arith.constant 0 : i32
    return %arg0 : i32
  }
  func.func @transform_3(%arg0: i32) -> i32 {
    %c0_i32 = arith.constant 0 : i32
    return %arg0 : i32
  }
  func.func @transform_4(%arg0: i32) -> (i32, i32) {
    %c0_i32 = arith.constant 0 : i32
    %c0_i32_0 = arith.constant 0 : i32
    return %c0_i32, %arg0 : i32, i32
  }
}

</mosaic_0001>

<sc_bundles>
// kernel: kernel.4.cloned.1.call-start
scs
__scs_entry_jumppad:
0x0: {  	(pc) =	sbr.rel $0x88, $3  }
0x1: {  	(tag) =	ssettag $0x0;
	lr =	simm.s32 $0x1  }
0x2: {  	[smem:$0x3F9D] =	sst lr;
	_ =	strace $0xD0000000  }
0x3: {  	_ = 	snop  }
0x4: {  	_ = 	snop  }
0x5: {  	_ = 	snop  }
0x6: {  	_ = 	snop  }
0x7: {  	_ = 	snop  }
__scs_overlays_trampoline_lowered:
0x8: {  	[smem:$0x3FAC] =	sst s0  }
0x9: {  	[smem:$0x3FAD] =	sst s1  }
0xa: {  	[smem:$0x3FAE] =	sst s2  }
0xb: {  	[smem:$0x3FAF] =	sst s3  }
0xc: {  	[smem:$0x3FB0] =	sst s4  }
0xd: {  	[smem:$0x3FB1] =	sst s5  }
0xe: {  	[smem:$0x3FB2] =	sst s6  }
0xf: {  	[smem:$0x3FB3] =	sst s7  }
0x10: {  	[smem:$0x3FB4] =	sst s8  }
0x11: {  	[smem:$0x3FB5] =	sst s9;
	s0 =	simm.s32 @!p0 $0x0  }
0x12: {  	s1 =	sld [smem:$0x3F9B];
	s0 =	simm.s32 @p0 $0x1  }
0x13: {  	[smem:$0x3FB6] =	sst s0;
	s0 =	simm.s32 @!p1 $0x0  }
0x14: {  	s2 =	sld [smem:$0x3F9A];
	s0 =	simm.s32 @p1 $0x1  }
0x15: {  	[smem:$0x3FB7] =	sst s0;
	s0 =	simm.s32 @!p2 $0x0  }
0x16: {  	s3 =	sld [smem:$0x3FDB];
	s0 =	simm.s32 @p2 $0x1  }
0x17: {  	s4 =	simm.s32 $0x1BF5;
	[smem:$0x3FB9] =	sst s0  }
0x18: {  	s0 =	sld [smem:$0x3F9C];
	_ =	swait.ge [sflag:s4], $0x0  }
0x19: {  	s7 =	sld [smem:$0x3F9D]  }
0x1a: {  	s8 =	sadd.s32 $0xFFFFE003, lr  }
0x1b: {  	s9 =	sadd.s32 $0xFFFFFEF7, lr;
	s5 =	simm.s32 $0xFFFFFFFF;
	p2 =	slt.u32 s8, $0xFFFFF086  }
0x1c: {  	p1 =	slt.u32 s9, $0xF7A;
	s5 =	simm.s32 @!p2 $0x0  }
0x1d: {  	s5 =	simm.s32 @p1 $0x1;
	p0 =	seq.s32 s7, s2  }
0x1e: {  	s7 =	smul.u32 @!p0 $0xF7A, s2;
	p2 =	seq.s32 @!p0 s5, $0x0  }
0x1f: {  	s9 =	smul.u32 $0xF7A, s1;
	s8 =	simm.s32 @!p0 $0x1BF5;
	p2 =	por !p2, p0  }
0x20: {  	[sflag:s8] =	ssyncset.s32 @!p0 $0xFFFFF086;
	s6 =	sadd.s32 @!p0 s3, s7;
	s7 =	simm.s32 @!p0 $0x108  }
0x21: {  	s3 =	sadd.s32 s3, s9;
	s6 =	sadd.s32 @!p0 $0x88, s6;
	s7 =	simm.s32 @p2 $0x1082  }
0x22: {  	[simem:s7], [sflag:s8] =	dma.local @!p0 [hbm:s6], $0xF7A  }
0x23: {  	s9 =	sor.u32 $0xD0000000, s2;
	s6 =	simm.s32 $0x108;
	_ =	swait.ge @!p0 [sflag:s8], $0x0  }
0x24: {  	s3 =	sadd.s32 $0x88, s3;
	s6 =	simm.s32 @!p1 $0x1082;
	[sflag:s4] =	ssyncset.s32 $0xFFFFF086  }
0x25: {  	[simem:s6], [sflag:s4] =	dma.local [hbm:s3], $0xF7A  }
0x26: {  	[smem:$0x3F9D] =	sst s1;
	(tag) =	ssettag s2;
	_ =	strace s9  }
0x27: {  	s1 =	sld [smem:$0x3FAD]  }
0x28: {  	s2 =	sld [smem:$0x3FAE]  }
0x29: {  	s4 =	sld [smem:$0x3FB0]  }
0x2a: {  	p0 =	seq.s32 s5, $0x0;
	s5 =	sld [smem:$0x3FB1]  }
0x2b: {  	s6 =	sld [smem:$0x3FB2]  }
0x2c: {  	s7 =	sld [smem:$0x3FB3]  }
0x2d: {  	s3 =	simm.s32 $0x108;
	s8 =	sld [smem:$0x3FB4]  }
0x2e: {  	s3 =	simm.s32 @!p0 $0x1082;
	s9 =	sld [smem:$0x3FB5]  }
0x2f: {  	lr =	sadd.s32 s0, s3;
	s0 =	sld [smem:$0x3FAC]  }
0x30: {  	s3 =	sld [smem:$0x3FAF]  }
0x31: {  	[smem:$0x3FB8] =	sst s10  }
0x32: {  	s10 =	sld [smem:$0x3FB6];
	_ =	sdelay $0x3  }
0x33: {  	p0 =	seq.s32 s10, $0x1;
	s10 =	sld [smem:$0x3FB8];
	_ =	sdelay $0x3  }
0x34: {  	[smem:$0x3FB8] =	sst s10  }
0x35: {  	s10 =	sld [smem:$0x3FB7];
	_ =	sdelay $0x3  }
0x36: {  	p1 =	seq.s32 s10, $0x1;
	s10 =	sld [smem:$0x3FB8];
	_ =	sdelay $0x3  }
0x37: {  	[smem:$0x3FB8] =	sst s10  }
0x38: {  	s10 =	sld [smem:$0x3FB9]  }
0x39: {  	_ = 	snop;
	(pc) =	sbr.ind lr, $3  }
0x3a: {  	_ = 	snop  }
0x3b: {  	_ = 	snop  }
0x3c: {  	p2 =	seq.s32 s10, $0x1;
	s10 =	sld [smem:$0x3FB8]  }
0x3d: {  	_ =	shalt  }
0x3e: {  	_ =	shalt  }
0x3f: {  	_ =	shalt  }
0x40: {  	_ =	shalt  }
0x41: {  	_ =	shalt  }
0x42: {  	_ =	shalt  }
0x43: {  	_ =	shalt  }
0x44: {  	_ =	shalt  }
0x45: {  	_ =	shalt  }
0x46: {  	_ =	shalt  }
0x47: {  	_ =	shalt  }
0x48: {  	_ =	shalt  }
0x49: {  	_ =	shalt  }
0x4a: {  	_ =	shalt  }
0x4b: {  	_ =	shalt  }
0x4c: {  	_ =	shalt  }
0x4d: {  	_ =	shalt  }
0x4e: {  	_ =	shalt  }
0x4f: {  	_ =	shalt  }
0x50: {  	_ =	shalt  }
0x51: {  	_ =	shalt  }
0x52: {  	_ =	shalt  }
0x53: {  	_ =	shalt  }
0x54: {  	_ =	shalt  }
0x55: {  	_ =	shalt  }
0x56: {  	_ =	shalt  }
0x57: {  	_ =	shalt  }
0x58: {  	_ =	shalt  }
0x59: {  	_ =	shalt  }
0x5a: {  	_ =	shalt  }
0x5b: {  	_ =	shalt  }
0x5c: {  	_ =	shalt  }
0x5d: {  	_ =	shalt  }
0x5e: {  	_ =	shalt  }
0x5f: {  	_ =	shalt  }
0x60: {  	_ =	shalt  }
0x61: {  	_ =	shalt  }
0x62: {  	_ =	shalt  }
0x63: {  	_ =	shalt  }
0x64: {  	_ =	shalt  }
0x65: {  	_ =	shalt  }
0x66: {  	_ =	shalt  }
0x67: {  	_ =	shalt  }
0x68: {  	_ =	shalt  }
0x69: {  	_ =	shalt  }
0x6a: {  	_ =	shalt  }
0x6b: {  	_ =	shalt  }
0x6c: {  	_ =	shalt  }
0x6d: {  	_ =	shalt  }
0x6e: {  	_ =	shalt  }
0x6f: {  	_ =	shalt  }
0x70: {  	_ =	shalt  }
0x71: {  	_ =	shalt  }
0x72: {  	_ =	shalt  }
0x73: {  	_ =	shalt  }
0x74: {  	_ =	shalt  }
0x75: {  	_ =	shalt  }
0x76: {  	_ =	shalt  }
0x77: {  	_ =	shalt  }
0x78: {  	_ =	shalt  }
0x79: {  	_ =	shalt  }
0x7a: {  	_ =	shalt  }
0x7b: {  	_ =	shalt  }
0x7c: {  	_ =	shalt  }
0x7d: {  	_ =	shalt  }
0x7e: {  	_ =	shalt  }
0x7f: {  	_ =	shalt  }
0x80: {  	_ =	shalt  }
0x81: {  	_ =	shalt  }
0x82: {  	_ =	shalt  }
0x83: {  	_ =	shalt  }
0x84: {  	_ =	shalt  }
0x85: {  	_ =	shalt  }
0x86: {  	_ =	shalt  }
0x87: {  	_ =	shalt  }
.Lfunc_end0:
.L_simem_size_0:
called_computation_lowered:
.L_overlay_start_0:
0x88: {  	s2 =	sld [smem:$0x3FD9]  }
0x89: {  	s3 =	sld [smem:$0x3FFE];
	_ =	sdelay $0x1  }
0x8a: {  	s1 =	srdreg.scid  }
0x8b: {  	s0 =	sand.u32 $0x1, s1  }
0x8c: {  	s17 =	sshll.u32 s0, $0xA;
	s2 =	sadd.s32 s3, s2  }
0x8d: {  	s2 =	sadd.s32 s2, s17  }
0x8e: {  	[smem:$0x3FC4] =	sst s2  }
0x8f: {  	_ = 	snop  }
0x90: {  	s2 =	sld [smem:$0x3FC6]  }
0x91: {  	s18 =	sld [smem:$0x3FD0];
	(tm) =	ssettm $0x1  }
0x92: {  	s4 =	sld [smem:$0x3FFB];
	_ =	sdelay $0x3  }
0x93: {  	_ =	strace s4  }
0x94: {  	s4 =	sld [smem:$0x3FFC];
	_ =	sdelay $0x3  }
0x95: {  	_ =	strace s4  }
0x96: {  	s4 =	sld [smem:$0x3FFD];
	_ =	sdelay $0x3  }
0x97: {  	_ =	strace s4  }
0x98: {  	_ =	strace $0x8FFFFFFF  }
0x99: {  	s19 =	sld [smem:$0x3FDB];
	_ =	sdelay $0x1  }
0x9a: {  	s5 =	simm.s32 $_scs_section_size  }
0x9b: {  	s6 =	simm.s32 $_size__tile_overlayer_lowered;
	s7 =	simm.s32 $_tile_overlayer_lowered  }
0x9c: {  	s22 =	simm.s32 $0x1BFF;
	s21 =	sshll.u32 s7, $0x1;
	s4 =	sadd.s32 s5, s19  }
0x9d: {  	s8 =	simm.s32 $0x0;
	s20 =	sshll.u32 s6, $0x1;
	s6 =	sadd.s32 s21, s4  }
0x9e: {  	[timem:s8], [sflag:s22] =	dma.local [hbm:s6], s20  }
0x9f: {  	_ =	swait.ge [sflag:s22], s20  }
0xa0: {  	s5 =	ssub.s32 $0x0, s20;
	[sflag:s22] =	ssyncset.done $0x0  }
0xa1: {  	[sflag:s22] =	ssyncadd.s32 s5;
	_ =	sdelay $0x1  }
0xa2: {  	s23 =	simm.s32 $0x1B8B  }
0xa3: {  	_ =	swait.ge [sflag:s23], $0x1  }
0xa4: {  	[sflag:s23] =	ssyncset.done $0x0  }
0xa5: {  	s25 =	simm.s32 $0x1B8E;
	s24 =	sld [smem:$0x3FFE];
	[sflag:s23] =	ssyncadd.s32 $0xFFFFFFFF  }
0xa6: {  	s26 =	simm.s32 $execute0_lowered;
	[smem:$0x3FD2] =	sst s25  }
0xa7: {  	s6 =	sshll.u32 s26, $0x1;
	_ =	strace $0x80000046;
	[dreg:$0x1] =	wrdreg $0xFFFFFFFF  }
0xa8: {  	s28 =	simm.s32 $_size_execute0_lowered;
	s4 =	sadd.s32 s4, s6;
	[dreg:$0x0] =	wrdreg $0x0  }
0xa9: {  	s6 =	sshll.u32 s28, $0x1;
	[dreg:$0x2] =	wrdreg s4  }
0xaa: {  	[dreg:$0x3] =	wrdreg s6  }
0xab: {  	[dreg:$0x4] =	wrdreg $0xC0  }
0xac: {  	_ =	task [dreg:s8], $0x5FFFF  }
0xad: {  	[dreg:$0x1] =	wrdreg $0xFFFFFFFF  }
0xae: {  	[dreg:$0x0] =	wrdreg $0x60  }
0xaf: {  	[dreg:$0x2] =	wrdreg s18  }
0xb0: {  	[dreg:$0x3] =	wrdreg s2  }
0xb1: {  	[dreg:$0x4] =	wrdreg s24  }
0xb2: {  	[dreg:$0x5] =	wrdreg $0x9  }
0xb3: {  	_ =	task.clear_ibuf [dreg:s8], $0x6FFFF;
	_ =	strace $0x90000046  }
0xb4: {  	s29 =	simm.s32 $0x9;
	_ =	strace $0x80000048  }
0xb5: {  	_ =	swait.ge [sflag:s29], $0x1  }
0xb6: {  	[sflag:s29] =	ssyncadd.s32 $0xFFFFFFFF  }
0xb7: {  	_ =	strace $0x90000048  }
0xb8: {  	_ =	sfence  }
0xb9: {  	s30 =	sld [smem:$0x0];
	_ =	sdelay $0x2  }
0xba: {  	s31 =	sshll.u32 s1, $0xD;
	s1 =	sshrl.u32 s1, $0x2  }
0xbb: {  	s3 =	sand.u32 $0x4000, s31;
	s1 =	sadd.s32 s1, s30  }
0xbc: {  	s0 =	sor.u32 s3, s0;
	s1 =	sshll.u32 s1, $0x11  }
0xbd: {  	s0 =	sor.u32 s1, s0  }
0xbe: {  	s0 =	sadd.s32 $0x8F2B, s0  }
0xbf: {  	[sflag:s0] =	ssyncadd.remote.s32 $0x1  }
0xc0: {  	_ =	sfence.sel $0xFFFF  }
0xc1: {  	[dreg:$0x0] =	wrdreg $0xFFFFFFFF;
	(pc) =	sbr.abs _section_cstart, $3  }
0xc2: {  	[dreg:$0x1] =	wrdreg $0xFFFFFFFF  }
0xc3: {  	_ =	task.clear_ibuf [dreg:s8], $0x2FFFF;
	_ =	strace $0x9FFFFFFF  }
0xc4: {  	(tm) =	ssettm $0x7FFFFFFF  }
0xc5: {  	_ =	shalt  }
tec
execute0_lowered:
.L_overlay_start_1:
0x0: {  	(tag) =	ssettag $0x1  }
0x1: {  	s1 =	rddreg [dreg:$0x0]  }
0x2: {  	s4 =	rddreg [dreg:$0x1]  }
0x3: {  	s5 =	rddreg [dreg:$0x2];
	s3 =	srdreg.scid  }
0x4: {  	s0 =	rddreg [dreg:$0x3];
	s2 =	stileid.u32  }
0x5: {  	s9 =	simm.s32 $0x400;
	s10 =	simm.s32 $0x600;
	s11 =	simm.s32 $0x480  }
0x6: {  	s12 =	simm.s32 $0x680;
	s13 =	simm.s32 $0x500;
	s14 =	simm.s32 $0x700  }
0x7: {  	s15 =	simm.s32 $0x580;
	s16 =	simm.s32 $0x780;
	s17 =	simm.s32 $0x1  }
0x8: {  	s6 =	sand.u32 $0x1, s3;
	s3 =	simm.s32 $0x0;
	s7 =	sshll.u32 s2, $0xA  }
0x9: {  	s8 =	sshll.u32 s6, $0x9;
	[smem:$0x7FF] =	sst s3;
	s6 =	ssub.s32 $0x2, s6  }
0xa: {  	s7 =	sor.u32 s8, s7;
	_ =	strace $0x80000047;
	s31 =	sshrl.u32 s6, $0x1  }
0xb: {  	s8 =	sshrl.u32 s7, $0x3;
	s7 =	sshrl.u32 s7, $0x2;
	s6 =	ssub.s32 s6, s31  }
0xc: {  	s5 =	sadd.s32 s8, s5;
	s4 =	sadd.s32 s4, s7;
	s6 =	smax.u32 s6, $0x1  }
0xd: {  	s7 =	simm.s32 $0x2;
	s8 =	simm.s32 $0x80;
	s5 =	sadd.s32 $0x800, s5  }
.LBB2_1:
0xe: {  	[tilespmem:s3], [sflag:$0x2] =	stream.linear.gather [hbm4b:s4+s3], $0x400, $0x38;
	[tilespmem:$0x800] =	vst v63  }
0xf: {  	_ =	swait.ge [sflag:s7], $0x400  }
0x10: {  	[sflag:s7] =	ssyncset.done $0x0  }
0x11: {  	[sflag:s7] =	ssyncadd.s32 $0xFFFFFC00  }
0x12: {  	v0 =	vld [tilespmem:$0x0]  }
0x13: {  	v1 =	vld [tilespmem:$0x80]  }
0x14: {  	v2 =	vld [tilespmem:$0x10]  }
0x15: {  	v3 =	vld [tilespmem:$0x90]  }
0x16: {  	v4 =	vld [tilespmem:$0x20]  }
0x17: {  	v5 =	vld [tilespmem:$0xA0]  }
0x18: {  	v6 =	vld [tilespmem:$0x30]  }
0x19: {  	v7 =	vld [tilespmem:$0xB0]  }
0x1a: {  	v8 =	vld [tilespmem:$0x40]  }
0x1b: {  	v9 =	vld [tilespmem:$0xC0]  }
0x1c: {  	v10 =	vld [tilespmem:$0x50]  }
0x1d: {  	v11 =	vld [tilespmem:$0xD0]  }
0x1e: {  	v12 =	vld [tilespmem:$0x60];
	v0 =	vshll.u32 v0, $0x9  }
0x1f: {  	v57 =	vld [tilespmem:$0xE0];
	v56 =	vshll.u32 v2, $0x9;
	v0 =	vadd.s32 v1, v0  }
0x20: {  	v60 =	vld [tilespmem:$0x70];
	v59 =	vshll.u32 v4, $0x9;
	v58 =	vadd.s32 v3, v56;
	[tilespmem:$0x400] =	vst v0  }
0x21: {  	v63 =	vld [tilespmem:$0xF0];
	v62 =	vshll.u32 v6, $0x9;
	v61 =	vadd.s32 v5, v59;
	[tilespmem:$0x410] =	vst v58  }
0x22: {  	v14 =	vshll.u32 v8, $0x9;
	v13 =	vadd.s32 v7, v62;
	[tilespmem:$0x420] =	vst v61  }
0x23: {  	v16 =	vshll.u32 v10, $0x9;
	v15 =	vadd.s32 v9, v14;
	[tilespmem:$0x430] =	vst v13  }
0x24: {  	v18 =	vshll.u32 v12, $0x9;
	v17 =	vadd.s32 v11, v16;
	[tilespmem:$0x440] =	vst v15  }
0x25: {  	v20 =	vshll.u32 v60, $0x9;
	v19 =	vadd.s32 v57, v18;
	[tilespmem:$0x450] =	vst v17  }
0x26: {  	v21 =	vadd.s32 v63, v20;
	[tilespmem:$0x460] =	vst v19  }
0x27: {  	[tilespmem:$0x470] =	vst v21  }
0x28: {  	[tilespmem:s10], [sflag:$0x1] =	stream.indirect.gather [hbm4b:s1+s8], $0x1, s9, s8, $0xb8;
	[tilespmem:$0x800] =	vst v63  }
0x29: {  	v22 =	vld [tilespmem:$0x100]  }
0x2a: {  	v23 =	vld [tilespmem:$0x180]  }
0x2b: {  	v24 =	vld [tilespmem:$0x110]  }
0x2c: {  	v25 =	vld [tilespmem:$0x190]  }
0x2d: {  	v26 =	vld [tilespmem:$0x120]  }
0x2e: {  	v27 =	vld [tilespmem:$0x1A0]  }
0x2f: {  	v28 =	vld [tilespmem:$0x130]  }
0x30: {  	v29 =	vld [tilespmem:$0x1B0]  }
0x31: {  	v30 =	vld [tilespmem:$0x140]  }
0x32: {  	v31 =	vld [tilespmem:$0x1C0]  }
0x33: {  	v32 =	vld [tilespmem:$0x150]  }
0x34: {  	v33 =	vld [tilespmem:$0x1D0]  }
0x35: {  	v34 =	vld [tilespmem:$0x160];
	v0 =	vshll.u32 v22, $0x9  }
0x36: {  	v36 =	vld [tilespmem:$0x1E0];
	v35 =	vshll.u32 v24, $0x9;
	v0 =	vadd.s32 v23, v0  }
0x37: {  	v39 =	vld [tilespmem:$0x170];
	v38 =	vshll.u32 v26, $0x9;
	v37 =	vadd.s32 v25, v35;
	[tilespmem:$0x480] =	vst v0  }
0x38: {  	v42 =	vld [tilespmem:$0x1F0];
	v41 =	vshll.u32 v28, $0x9;
	v40 =	vadd.s32 v27, v38;
	[tilespmem:$0x490] =	vst v37  }
0x39: {  	v44 =	vshll.u32 v30, $0x9;
	v43 =	vadd.s32 v29, v41;
	[tilespmem:$0x4A0] =	vst v40  }
0x3a: {  	v46 =	vshll.u32 v32, $0x9;
	v45 =	vadd.s32 v31, v44;
	[tilespmem:$0x4B0] =	vst v43  }
0x3b: {  	v48 =	vshll.u32 v34, $0x9;
	v47 =	vadd.s32 v33, v46;
	[tilespmem:$0x4C0] =	vst v45  }
0x3c: {  	v50 =	vshll.u32 v39, $0x9;
	v49 =	vadd.s32 v36, v48;
	[tilespmem:$0x4D0] =	vst v47  }
0x3d: {  	v51 =	vadd.s32 v42, v50;
	[tilespmem:$0x4E0] =	vst v49  }
0x3e: {  	[tilespmem:$0x4F0] =	vst v51  }
0x3f: {  	[tilespmem:s12], [sflag:$0x1] =	stream.indirect.gather [hbm4b:s1+s8], $0x1, s11, s8, $0xb8;
	[tilespmem:$0x800] =	vst v63  }
0x40: {  	v52 =	vld [tilespmem:$0x200]  }
0x41: {  	v53 =	vld [tilespmem:$0x280]  }
0x42: {  	v54 =	vld [tilespmem:$0x210]  }
0x43: {  	v55 =	vld [tilespmem:$0x290]  }
0x44: {  	v56 =	vld [tilespmem:$0x220]  }
0x45: {  	v57 =	vld [tilespmem:$0x2A0]  }
0x46: {  	v58 =	vld [tilespmem:$0x230]  }
0x47: {  	v59 =	vld [tilespmem:$0x2B0]  }
0x48: {  	v60 =	vld [tilespmem:$0x240]  }
0x49: {  	v61 =	vld [tilespmem:$0x2C0]  }
0x4a: {  	v62 =	vld [tilespmem:$0x250]  }
0x4b: {  	v63 =	vld [tilespmem:$0x2D0]  }
0x4c: {  	v16 =	vld [tilespmem:$0x260];
	v0 =	vshll.u32 v52, $0x9  }
0x4d: {  	v18 =	vld [tilespmem:$0x2E0];
	v17 =	vshll.u32 v54, $0x9;
	v0 =	vadd.s32 v53, v0  }
0x4e: {  	v21 =	vld [tilespmem:$0x270];
	v20 =	vshll.u32 v56, $0x9;
	v19 =	vadd.s32 v55, v17;
	[tilespmem:$0x500] =	vst v0  }
0x4f: {  	v24 =	vld [tilespmem:$0x2F0];
	v23 =	vshll.u32 v58, $0x9;
	v22 =	vadd.s32 v57, v20;
	[tilespmem:$0x510] =	vst v19  }
0x50: {  	v26 =	vshll.u32 v60, $0x9;
	v25 =	vadd.s32 v59, v23;
	[tilespmem:$0x520] =	vst v22  }
0x51: {  	v28 =	vshll.u32 v62, $0x9;
	v27 =	vadd.s32 v61, v26;
	[tilespmem:$0x530] =	vst v25  }
0x52: {  	v30 =	vshll.u32 v16, $0x9;
	v29 =	vadd.s32 v63, v28;
	[tilespmem:$0x540] =	vst v27  }
0x53: {  	v32 =	vshll.u32 v21, $0x9;
	v31 =	vadd.s32 v18, v30;
	[tilespmem:$0x550] =	vst v29  }
0x54: {  	v33 =	vadd.s32 v24, v32;
	[tilespmem:$0x560] =	vst v31  }
0x55: {  	[tilespmem:$0x570] =	vst v33  }
0x56: {  	[tilespmem:s14], [sflag:$0x1] =	stream.indirect.gather [hbm4b:s1+s8], $0x1, s13, s8, $0xb8;
	[tilespmem:$0x800] =	vst v63  }
0x57: {  	v34 =	vld [tilespmem:$0x300]  }
0x58: {  	v35 =	vld [tilespmem:$0x380]  }
0x59: {  	v36 =	vld [tilespmem:$0x310]  }
0x5a: {  	v37 =	vld [tilespmem:$0x390]  }
0x5b: {  	v38 =	vld [tilespmem:$0x320]  }
0x5c: {  	v39 =	vld [tilespmem:$0x3A0]  }
0x5d: {  	v40 =	vld [tilespmem:$0x330]  }
0x5e: {  	v41 =	vld [tilespmem:$0x3B0]  }
0x5f: {  	v42 =	vld [tilespmem:$0x340]  }
0x60: {  	v43 =	vld [tilespmem:$0x3C0]  }
0x61: {  	v44 =	vld [tilespmem:$0x350]  }
0x62: {  	v45 =	vld [tilespmem:$0x3D0]  }
0x63: {  	v46 =	vld [tilespmem:$0x360];
	v0 =	vshll.u32 v34, $0x9  }
0x64: {  	v48 =	vld [tilespmem:$0x3E0];
	v47 =	vshll.u32 v36, $0x9;
	v0 =	vadd.s32 v35, v0  }
0x65: {  	v51 =	vld [tilespmem:$0x370];
	v50 =	vshll.u32 v38, $0x9;
	v49 =	vadd.s32 v37, v47;
	[tilespmem:$0x580] =	vst v0  }
0x66: {  	v54 =	vld [tilespmem:$0x3F0];
	v53 =	vshll.u32 v40, $0x9;
	v52 =	vadd.s32 v39, v50;
	[tilespmem:$0x590] =	vst v49  }
0x67: {  	v56 =	vshll.u32 v42, $0x9;
	v55 =	vadd.s32 v41, v53;
	[tilespmem:$0x5A0] =	vst v52  }
0x68: {  	v58 =	vshll.u32 v44, $0x9;
	v57 =	vadd.s32 v43, v56;
	[tilespmem:$0x5B0] =	vst v55  }
0x69: {  	v60 =	vshll.u32 v46, $0x9;
	v59 =	vadd.s32 v45, v58;
	[tilespmem:$0x5C0] =	vst v57  }
0x6a: {  	v62 =	vshll.u32 v51, $0x9;
	v61 =	vadd.s32 v48, v60;
	[tilespmem:$0x5D0] =	vst v59  }
0x6b: {  	v63 =	vadd.s32 v54, v62;
	[tilespmem:$0x5E0] =	vst v61  }
0x6c: {  	[tilespmem:$0x5F0] =	vst v63  }
0x6d: {  	[tilespmem:s16], [sflag:$0x1] =	stream.indirect.gather [hbm4b:s1+s8], $0x1, s15, s8, $0xb8;
	[tilespmem:$0x800] =	vst v63  }
0x6e: {  	_ =	swait.ge [sflag:s17], $0x80  }
0x6f: {  	[sflag:s17] =	ssyncset.done $0x0  }
0x70: {  	[sflag:s17] =	ssyncadd.s32 $0xFFFFFF80  }
0x71: {  	_ =	swait.ge [sflag:s17], $0x80  }
0x72: {  	[sflag:s17] =	ssyncset.done $0x0  }
0x73: {  	[sflag:s17] =	ssyncadd.s32 $0xFFFFFF80  }
0x74: {  	_ =	swait.ge [sflag:s17], $0x80  }
0x75: {  	[sflag:s17] =	ssyncset.done $0x0  }
0x76: {  	[sflag:s17] =	ssyncadd.s32 $0xFFFFFF80  }
0x77: {  	_ =	swait.ge [sflag:s17], $0x80  }
0x78: {  	p0 =	sne.s32 s6, $0x1;
	[sflag:s17] =	ssyncset.done $0x0  }
.Ltmp0:
0x79: {  	[sflag:s17] =	ssyncadd.s32 $0xFFFFFF80;
	(pc) =	sbr.rel @p0 .LBB2_1-.Ltmp0, $4  }
0x7a: {  	[hbm4b:s5+s3] =	stream.linear.scatter [tilespmem:s10], [sflag:$0x2], $0x200, $0x38;
	[tilespmem:$0x800] =	vst v63  }
0x7b: {  	_ =	swait.ge [sflag:s7], $0x200  }
0x7c: {  	[sflag:s7] =	ssyncset.done $0x0  }
0x7d: {  	s6 =	sadd.s32 $0xFFFFFFFF, s6;
	[sflag:s7] =	ssyncadd.s32 $0xFFFFFE00  }
0x7e: {  	_ =	sfence.sel $0x180000  }
0x7f: {  	[bflag:$0x0] =	sbarrier.arrive $0xFFFF  }
0x80: {  	p0 =	sne.s32 s2, $0x0;
	_ =	strace $0x90000047  }
0x81: {  	s0 =	sadd.s32 @!p0 $0x100000, s0;
	[bflag:$0x2] =	sbarrier.arrive $0xFFFF  }
0x82: {  	[sflag:s0] =	ssyncadd.tile.s32 @!p0 $0x1;
	_ =	shalt  }
.Lfunc_end2:
_tile_overlayer_lowered:
.L_overlay_start_2:
0x83: {  	(tag) =	ssettag $0x2  }
0x84: {  	s0 =	rddreg [dreg:$0x0];
	s2 =	stileid.u32  }
0x85: {  	s1 =	rddreg [dreg:$0x1];
	p0 =	sne.s32 s2, $0x0  }
0x86: {  	s3 =	rddreg [dreg:$0x2];
	[bflag:$0x3] =	sbarrier.arrive $0xFFFF;
	s2 =	simm.s32 @!p0 $0x1C02  }
0x87: {  	[timem:s3], [sflag:s2] =	dma.local @!p0 [hbm:s0], s1  }
0x88: {  	s0 =	simm.s32 @!p0 $0x2  }
0x89: {  	_ =	swait.ge @!p0 [sflag:s0], s1  }
0x8a: {  	s1 =	ssub.s32 @!p0 $0x0, s1;
	[sflag:s0] =	ssyncset.done @!p0 $0x0  }
0x8b: {  	[sflag:s0] =	ssyncadd.s32 @!p0 s1  }
0x8c: {  	[bflag:$0x3] =	sbarrier.arrive $0xFFFF  }
0x8d: {  	_ =	shalt  }

</sc_bundles>
